<compile_context>
chip_gen: v7x
topology: tpu7x:2x2x1
jax: 0.10.2.dev20260603
libtpu: 0.0.44.dev20260713+nightly
codegen_flags: <defaults>
</compile_context>

<pallas_src>
import functools

import jax
import jax.numpy as jnp
from jax import lax
from jax.experimental import pallas as pl
from jax.experimental.pallas import tpu as pltpu
from jax.experimental.pallas import tpu_sc as plsc

_N = 10000
_E = 320000
_F = 128
_C = 40

_NP = 10240
_CP = 48
_NC = 2
_NS = 16
_NW = _NC * _NS
_CH = 128
_EPW = 10240
_EP = _EPW * _NW
_NCHUNK = _EPW // _CH
_RPT = _NP // _NS
_BR = 1024


def _mesh():
    return plsc.VectorSubcoreMesh(core_axis_name="c", subcore_axis_name="s")


def _sc_degree(dst3):
    @functools.partial(
        pl.kernel,
        out_type=jax.ShapeDtypeStruct((_NC, _NP, 16), jnp.float32),
        mesh=_mesh(),
        scratch_types=[
            pltpu.VMEM((_NCHUNK, _CH), jnp.int32),
            pltpu.VMEM((_CH, 16), jnp.float32),
            pltpu.VMEM_SHARED((_NP, 16), jnp.float32),
            pltpu.SemaphoreType.DMA,
        ],
    )
    def deg_kernel(dst_hbm, out_hbm, dst_v, val_v, acc_sh, sem):
        c = lax.axis_index("c")
        s = lax.axis_index("s")
        wid = c * _NS + s
        pltpu.sync_copy(dst_hbm.at[wid], dst_v)
        zero = jnp.zeros((16,), jnp.float32)

        def _fill_zero(r, _):
            val_v[r, :] = zero
            return 0

        lax.fori_loop(0, _CH, _fill_zero, 0)
        for t in range(_RPT // _CH):
            pltpu.sync_copy(val_v, acc_sh.at[pl.ds(s * _RPT + t * _CH, _CH)])
        one = jnp.ones((16,), jnp.float32)

        def _fill_one(r, _):
            val_v[r, :] = one
            return 0

        lax.fori_loop(0, _CH, _fill_one, 0)
        plsc.subcore_barrier()

        def _chunk(j, _):
            pltpu.sync_copy(val_v, acc_sh.at[dst_v.at[j]], add=True)
            return 0

        lax.fori_loop(0, _NCHUNK, _chunk, 0)
        plsc.subcore_barrier()
        pltpu.sync_copy(acc_sh.at[pl.ds(s * _RPT, _RPT)],
                        out_hbm.at[c, pl.ds(s * _RPT, _RPT)])

    return deg_kernel(dst3)


def _sc_scatter(g, src3, dst3, d):
    @functools.partial(
        pl.kernel,
        out_type=jax.ShapeDtypeStruct((_NC, _NP, d), jnp.float32),
        mesh=_mesh(),
        scratch_types=[
            pltpu.VMEM((_NCHUNK, _CH), jnp.int32),
            pltpu.VMEM((_NCHUNK, _CH), jnp.int32),
            pltpu.VMEM((_CH, d), jnp.float32),
            pltpu.VMEM_SHARED((_NP, d), jnp.float32),
            pltpu.SemaphoreType.DMA,
        ],
    )
    def scat_kernel(g_hbm, src_hbm, dst_hbm, out_hbm, src_v, dst_v, rows_v,
                    acc_sh, sem):
        c = lax.axis_index("c")
        s = lax.axis_index("s")
        wid = c * _NS + s
        pltpu.sync_copy(src_hbm.at[wid], src_v)
        pltpu.sync_copy(dst_hbm.at[wid], dst_v)
        zero = jnp.zeros((16,), jnp.float32)

        def _fill_zero(r, _):
            for k in range(d // 16):
                rows_v[r, pl.ds(k * 16, 16)] = zero
            return 0

        lax.fori_loop(0, _CH, _fill_zero, 0)
        for t in range(_RPT // _CH):
            pltpu.sync_copy(rows_v, acc_sh.at[pl.ds(s * _RPT + t * _CH, _CH)])
        plsc.subcore_barrier()

        def _chunk(j, _):
            pltpu.async_copy(g_hbm.at[src_v.at[j]], rows_v, sem).wait()
            pltpu.sync_copy(rows_v, acc_sh.at[dst_v.at[j]], add=True)
            return 0

        lax.fori_loop(0, _NCHUNK, _chunk, 0)
        plsc.subcore_barrier()
        pltpu.sync_copy(acc_sh.at[pl.ds(s * _RPT, _RPT)],
                        out_hbm.at[c, pl.ds(s * _RPT, _RPT)])

    return scat_kernel(g, src3, dst3)


def _dinv_block(dp0, dp1):
    cnt = dp0[:, 0:1] + dp1[:, 0:1]
    return lax.rsqrt(cnt + 1.0)


def _tc1_body(dp0, dp1, x_r, w_r, g_r):
    dinv = _dinv_block(dp0, dp1)
    g_r[...] = dinv * jnp.dot(x_r[...], w_r[...],
                              preferred_element_type=jnp.float32)


def _tc2_body(dp0, dp1, p0, p1, g1, b1r, hid_r, gh_r):
    dinv = _dinv_block(dp0, dp1)
    o1 = dinv * (p0[...] + p1[...] + g1[...]) + b1r[...]
    hid = jnp.maximum(o1, 0.0)
    hid_r[...] = hid
    gh_r[...] = dinv * hid


def _tc3_body(dp0, dp1, q0, q1, gh, w2, b2r, o2_r, lp_r):
    dinv = _dinv_block(dp0, dp1)
    u = dinv * (q0[...] + q1[...] + gh[...])
    o2 = jnp.dot(u, w2[...], preferred_element_type=jnp.float32) + b2r[...]
    col = lax.broadcasted_iota(jnp.int32, (_BR, _CP), 1)
    valid = col < _C
    masked = jnp.where(valid, o2, -jnp.inf)
    m = jnp.max(masked, axis=1, keepdims=True)
    ex = jnp.where(valid, jnp.exp(o2 - m), 0.0)
    lse = jnp.log(jnp.sum(ex, axis=1, keepdims=True))
    o2_r[...] = o2
    lp_r[...] = o2 - (m + lse)


def _row_spec(w):
    return pl.BlockSpec((_BR, w), lambda i: (i, 0))


def _full_spec(h, w):
    return pl.BlockSpec((h, w), lambda i: (0, 0))


_GRID = (_NP // _BR,)


def _tc1(dp0, dp1, xp, w1):
    return pl.pallas_call(
        _tc1_body,
        grid=_GRID,
        in_specs=[_row_spec(16), _row_spec(16), _row_spec(_F), _full_spec(_F, _F)],
        out_specs=_row_spec(_F),
        out_shape=jax.ShapeDtypeStruct((_NP, _F), jnp.float32),
    )(dp0, dp1, xp, w1)


def _tc2(dp0, dp1, p0, p1, g1, b1r):
    return pl.pallas_call(
        _tc2_body,
        grid=_GRID,
        in_specs=[_row_spec(16), _row_spec(16), _row_spec(_F), _row_spec(_F),
                  _row_spec(_F), _full_spec(1, _F)],
        out_specs=[_row_spec(_F), _row_spec(_F)],
        out_shape=[jax.ShapeDtypeStruct((_NP, _F), jnp.float32),
                   jax.ShapeDtypeStruct((_NP, _F), jnp.float32)],
    )(dp0, dp1, p0, p1, g1, b1r)


def _tc3(dp0, dp1, q0, q1, gh, w2p, b2r):
    return pl.pallas_call(
        _tc3_body,
        grid=_GRID,
        in_specs=[_row_spec(16), _row_spec(16), _row_spec(_F), _row_spec(_F),
                  _row_spec(_F), _full_spec(_F, _CP), _full_spec(1, _CP)],
        out_specs=[_row_spec(_CP), _row_spec(_CP)],
        out_shape=[jax.ShapeDtypeStruct((_NP, _CP), jnp.float32),
                   jax.ShapeDtypeStruct((_NP, _CP), jnp.float32)],
    )(dp0, dp1, q0, q1, gh, w2p, b2r)


def kernel(x, edge_index, W1, b1, W2, b2):
    src = edge_index[0].astype(jnp.int32)
    dst = edge_index[1].astype(jnp.int32)
    pad_idx = jnp.full((_EP - _E,), _N, jnp.int32)
    srcp = jnp.concatenate([src, pad_idx])
    dstp = jnp.concatenate([dst, pad_idx])
    srcs = srcp.reshape(_NW, _NCHUNK, _CH)
    dsts = dstp.reshape(_NW, _NCHUNK, _CH)
    dstd = dsts
    xp = jnp.zeros((_NP, _F), jnp.float32).at[:_N].set(x)
    w2p = jnp.zeros((_F, _CP), jnp.float32).at[:, :_C].set(W2)
    b1r = b1.reshape(1, _F)
    b2r = jnp.zeros((1, _CP), jnp.float32).at[0, :_C].set(b2)

    degp = _sc_degree(dstd)
    dp0, dp1 = degp[0], degp[1]
    g1 = _tc1(dp0, dp1, xp, W1)
    p = _sc_scatter(g1, srcs, dsts, _F)
    hid, gh = _tc2(dp0, dp1, p[0], p[1], g1, b1r)
    q = _sc_scatter(gh, srcs, dsts, _F)
    o2, lp = _tc3(dp0, dp1, q[0], q[1], gh, w2p, b2r)
    return (hid[:_N], o2[:_N, :_C], lp[:_N, :_C])

# --- scband reference (transcript-rebuilt; emitter-appended) ---
"""Pipeline reference for scband-gcn-17136919511827 (READ-ONLY COPY).

The authoritative reference and input builder live on the scoring server;
editing this copy changes nothing except your own understanding.
"""

import jax, jax.numpy as jnp
import numpy as np

N = 10000
E = 320000
F_IN = 128
HID = 128
C = 40


def _xavier(key, fan_in, fan_out):
    limit = np.sqrt(6.0 / (fan_in + fan_out))
    return jax.random.uniform(key, (fan_in, fan_out), jnp.float32, -limit, limit)


def setup_inputs(seed: int = 0) -> dict:
    key = jax.random.key(seed)
    k1, k2, k3, k4 = jax.random.split(key, 4)
    x = jax.random.normal(k1, (N, F_IN), jnp.float32)
    edge_index = jax.random.randint(k2, (2, E), 0, N)
    W1 = _xavier(k3, F_IN, HID)
    b1 = jnp.zeros((HID,), jnp.float32)
    W2 = _xavier(k4, HID, C)
    b2 = jnp.zeros((C,), jnp.float32)
    return {"x": x, "edge_index": edge_index, "W1": W1, "b1": b1, "W2": W2, "b2": b2}


def _gcn_conv(x, src, dst, W, b):
    # linear transform
    h = x @ W
    n = h.shape[0]
    # add self loops (PyG GCNConv default)
    loop = jnp.arange(n, dtype=src.dtype)
    s = jnp.concatenate([src, loop])
    d = jnp.concatenate([dst, loop])
    # symmetric normalization D^{-1/2} A D^{-1/2}
    deg = jnp.zeros((n,), h.dtype).at[d].add(1.0)
    dinv = jnp.where(deg > 0, jax.lax.rsqrt(jnp.maximum(deg, 1e-12)), 0.0)
    norm = dinv[s] * dinv[d]
    # gather + scale + scatter-add
    msg = h[s] * norm[:, None]
    out = jax.ops.segment_sum(msg, d, num_segments=n)
    return out + b


def reference(x, edge_index, W1, b1, W2, b2):
    src = edge_index[0]
    dst = edge_index[1]
    h = _gcn_conv(x, src, dst, W1, b1)
    hid_x = jax.nn.relu(h)
    # dropout in eval mode (training=False) -> identity
    out = _gcn_conv(hid_x, src, dst, W2, b2)
    logp = jax.nn.log_softmax(out, axis=1)
    return (hid_x, out, logp)

if __name__ == "__main__":
    import jax
    _d = setup_inputs()
    print(jax.jit(kernel)(*tuple(_d.values())))

</pallas_src>

<mosaic_0001>
#map = affine_map<(d0, d1) -> (0, 0, 0)>
module attributes {stable_mosaic.version = 14 : i64} {
  func.func @deg_kernel(%arg0: i32, %arg1: i32, %arg2: memref<32x80x128xi32, #tpu.memory_space<hbm>>, %arg3: memref<2x10240x16xf32, #tpu.memory_space<hbm>>, %arg4: memref<80x128xi32, #tpu.memory_space<vmem>>, %arg5: memref<128x16xf32, #tpu.memory_space<vmem>>, %arg6: memref<10240x16xf32, #tpu.memory_space<vmem_shared>>, %arg7: memref<!tpu.dma_semaphore, #tpu.memory_space<semaphore_mem>>) attributes {dimension_semantics = [#tpu.dimension_semantics<core_parallel>, #tpu.dimension_semantics<subcore_parallel>], iteration_bounds = array<i64: 2, 16>, scalar_prefetch = 0 : i64, scratch_operands = 4 : i64, tpu.core_type = #tpu.core_type<sc_vector_subcore>, window_params = [{transform_indices = #map}, {transform_indices = #map}]} {
    %mul3A = arith.constant 16 : i32
    %mul3A_0 = arith.muli %arg0, %mul3A : i32
    %add3A = arith.addi %mul3A_0, %arg1 : i32
    "tpu.region"() ({
      %run_scoped3A = tpu.sem_alloc : memref<!tpu.dma_semaphore, #tpu.memory_space<semaphore_mem>>
      %dma_start3A = arith.constant 0 : i32
      %dma_start3A_49 = arith.constant 0 : i32
      %dma_start3A_50 = tpu.memref_slice %arg2[%add3A, %dma_start3A, %dma_start3A_49] : memref<32x80x128xi32, #tpu.memory_space<hbm>> -> memref<1x80x128xi32, #tpu.memory_space<hbm>>
      %dma_start3A_51 = tpu.memref_squeeze %dma_start3A_50 : memref<1x80x128xi32, #tpu.memory_space<hbm>> -> memref<80x128xi32, #tpu.memory_space<hbm>>
      %dma_start3A_52 = arith.constant 0 : i32
      %dma_start3A_53 = arith.constant 0 : i32
      %dma_start3A_54 = tpu.memref_slice %arg2[%add3A, %dma_start3A_52, %dma_start3A_53] : memref<32x80x128xi32, #tpu.memory_space<hbm>> -> memref<1x80x128xi32, #tpu.memory_space<hbm>>
      %dma_start3A_55 = tpu.memref_squeeze %dma_start3A_54 : memref<1x80x128xi32, #tpu.memory_space<hbm>> -> memref<80x128xi32, #tpu.memory_space<hbm>>
      tpu.enqueue_dma source(%dma_start3A_55 : memref<80x128xi32, #tpu.memory_space<hbm>>) target(%arg4 : memref<80x128xi32, #tpu.memory_space<vmem>>) target_semaphore(%run_scoped3A : memref<!tpu.dma_semaphore, #tpu.memory_space<semaphore_mem>>)
      %dma_wait3A = arith.constant 0 : i32
      %dma_wait3A_56 = arith.constant 0 : i32
      %dma_wait3A_57 = tpu.memref_slice %arg2[%add3A, %dma_wait3A, %dma_wait3A_56] : memref<32x80x128xi32, #tpu.memory_space<hbm>> -> memref<1x80x128xi32, #tpu.memory_space<hbm>>
      %dma_wait3A_58 = tpu.memref_squeeze %dma_wait3A_57 : memref<1x80x128xi32, #tpu.memory_space<hbm>> -> memref<80x128xi32, #tpu.memory_space<hbm>>
      %dma_wait3A_59 = arith.constant 0 : i32
      %dma_wait3A_60 = arith.constant 0 : i32
      %dma_wait3A_61 = tpu.memref_slice %arg2[%add3A, %dma_wait3A_59, %dma_wait3A_60] : memref<32x80x128xi32, #tpu.memory_space<hbm>> -> memref<1x80x128xi32, #tpu.memory_space<hbm>>
      %dma_wait3A_62 = tpu.memref_squeeze %dma_wait3A_61 : memref<1x80x128xi32, #tpu.memory_space<hbm>> -> memref<80x128xi32, #tpu.memory_space<hbm>>
      tpu.wait_dma2 semaphore(%run_scoped3A : memref<!tpu.dma_semaphore, #tpu.memory_space<semaphore_mem>>) src(%dma_wait3A_62 : memref<80x128xi32, #tpu.memory_space<hbm>>) dst(%arg4 : memref<80x128xi32, #tpu.memory_space<vmem>>)
      tpu.yield
    }) : () -> ()
    %broadcast_in_dim3A = arith.constant 0.000000e+00 : f32
    %broadcast_in_dim3A_1 = vector.broadcast %broadcast_in_dim3A : f32 to vector<16xf32>
    %scan3A = arith.constant 0 : i32
    %scan3A_2 = arith.constant 0 : i32
    %scan3A_3 = arith.constant 128 : i32
    %scan3A_4 = arith.addi %scan3A_2, %scan3A_3 : i32
    %scan3A_5 = arith.constant 1 : i32
    %scan3A_6 = scf.for %scan3A_49 = %scan3A_2 to %scan3A_4 step %scan3A_5 iter_args(%scan3A_50 = %scan3A) -> (i32)  : i32 {
      %swap3A = arith.index_cast %scan3A_49 : i32 to index
      %swap3A_51 = arith.constant 0 : index
      %swap3A_52 = tpu.vector_load %arg5[%swap3A, %swap3A_51] {strides = array<i32>} : memref<128x16xf32, #tpu.memory_space<vmem>>, vector<1x16xf32>,
      %swap3A_53 = vector.shape_cast %swap3A_52 : vector<1x16xf32> to vector<16xf32>
      %swap3A_54 = vector.shape_cast %broadcast_in_dim3A_1 : vector<16xf32> to vector<1x16xf32>
      tpu.vector_store %arg5[%swap3A, %swap3A_51], %swap3A_54 {strides = array<i32>} : memref<128x16xf32, #tpu.memory_space<vmem>>, vector<1x16xf32>,
      %scan3A_55 = arith.constant 0 : i32
      scf.yield %scan3A_55 : i32
    }
    %scan3A_7 = arith.constant 128 : i32
    %mul3A_8 = arith.constant 640 : i32
    %mul3A_9 = arith.muli %arg1, %mul3A_8 : i32
    %add3A_10 = arith.constant 0 : i32
    %add3A_11 = arith.addi %mul3A_9, %add3A_10 : i32
    "tpu.region"() ({
      %run_scoped3A = tpu.sem_alloc : memref<!tpu.dma_semaphore, #tpu.memory_space<semaphore_mem>>
      %dma_start3A = arith.constant 0 : i32
      %dma_start3A_49 = tpu.memref_slice %arg6[%add3A_11, %dma_start3A] : memref<10240x16xf32, #tpu.memory_space<vmem_shared>> -> memref<128x16xf32, #tpu.memory_space<vmem_shared>>
      %dma_start3A_50 = arith.constant 0 : i32
      %dma_start3A_51 = tpu.memref_slice %arg6[%add3A_11, %dma_start3A_50] : memref<10240x16xf32, #tpu.memory_space<vmem_shared>> -> memref<128x16xf32, #tpu.memory_space<vmem_shared>>
      tpu.enqueue_dma source(%arg5 : memref<128x16xf32, #tpu.memory_space<vmem>>) target(%dma_start3A_51 : memref<128x16xf32, #tpu.memory_space<vmem_shared>>) target_semaphore(%run_scoped3A : memref<!tpu.dma_semaphore, #tpu.memory_space<semaphore_mem>>)
      %dma_wait3A = arith.constant 0 : i32
      %dma_wait3A_52 = tpu.memref_slice %arg6[%add3A_11, %dma_wait3A] : memref<10240x16xf32, #tpu.memory_space<vmem_shared>> -> memref<128x16xf32, #tpu.memory_space<vmem_shared>>
      %dma_wait3A_53 = arith.constant 0 : i32
      %dma_wait3A_54 = tpu.memref_slice %arg6[%add3A_11, %dma_wait3A_53] : memref<10240x16xf32, #tpu.memory_space<vmem_shared>> -> memref<128x16xf32, #tpu.memory_space<vmem_shared>>
      tpu.wait_dma2 semaphore(%run_scoped3A : memref<!tpu.dma_semaphore, #tpu.memory_space<semaphore_mem>>) src(%arg5 : memref<128x16xf32, #tpu.memory_space<vmem>>) dst(%dma_wait3A_54 : memref<128x16xf32, #tpu.memory_space<vmem_shared>>)
      tpu.yield
    }) : () -> ()
    %mul3A_12 = arith.constant 640 : i32
    %mul3A_13 = arith.muli %arg1, %mul3A_12 : i32
    %add3A_14 = arith.constant 128 : i32
    %add3A_15 = arith.addi %mul3A_13, %add3A_14 : i32
    "tpu.region"() ({
      %run_scoped3A = tpu.sem_alloc : memref<!tpu.dma_semaphore, #tpu.memory_space<semaphore_mem>>
      %dma_start3A = arith.constant 0 : i32
      %dma_start3A_49 = tpu.memref_slice %arg6[%add3A_15, %dma_start3A] : memref<10240x16xf32, #tpu.memory_space<vmem_shared>> -> memref<128x16xf32, #tpu.memory_space<vmem_shared>>
      %dma_start3A_50 = arith.constant 0 : i32
      %dma_start3A_51 = tpu.memref_slice %arg6[%add3A_15, %dma_start3A_50] : memref<10240x16xf32, #tpu.memory_space<vmem_shared>> -> memref<128x16xf32, #tpu.memory_space<vmem_shared>>
      tpu.enqueue_dma source(%arg5 : memref<128x16xf32, #tpu.memory_space<vmem>>) target(%dma_start3A_51 : memref<128x16xf32, #tpu.memory_space<vmem_shared>>) target_semaphore(%run_scoped3A : memref<!tpu.dma_semaphore, #tpu.memory_space<semaphore_mem>>)
      %dma_wait3A = arith.constant 0 : i32
      %dma_wait3A_52 = tpu.memref_slice %arg6[%add3A_15, %dma_wait3A] : memref<10240x16xf32, #tpu.memory_space<vmem_shared>> -> memref<128x16xf32, #tpu.memory_space<vmem_shared>>
      %dma_wait3A_53 = arith.constant 0 : i32
      %dma_wait3A_54 = tpu.memref_slice %arg6[%add3A_15, %dma_wait3A_53] : memref<10240x16xf32, #tpu.memory_space<vmem_shared>> -> memref<128x16xf32, #tpu.memory_space<vmem_shared>>
      tpu.wait_dma2 semaphore(%run_scoped3A : memref<!tpu.dma_semaphore, #tpu.memory_space<semaphore_mem>>) src(%arg5 : memref<128x16xf32, #tpu.memory_space<vmem>>) dst(%dma_wait3A_54 : memref<128x16xf32, #tpu.memory_space<vmem_shared>>)
      tpu.yield
    }) : () -> ()
    %mul3A_16 = arith.constant 640 : i32
    %mul3A_17 = arith.muli %arg1, %mul3A_16 : i32
    %add3A_18 = arith.constant 256 : i32
    %add3A_19 = arith.addi %mul3A_17, %add3A_18 : i32
    "tpu.region"() ({
      %run_scoped3A = tpu.sem_alloc : memref<!tpu.dma_semaphore, #tpu.memory_space<semaphore_mem>>
      %dma_start3A = arith.constant 0 : i32
      %dma_start3A_49 = tpu.memref_slice %arg6[%add3A_19, %dma_start3A] : memref<10240x16xf32, #tpu.memory_space<vmem_shared>> -> memref<128x16xf32, #tpu.memory_space<vmem_shared>>
      %dma_start3A_50 = arith.constant 0 : i32
      %dma_start3A_51 = tpu.memref_slice %arg6[%add3A_19, %dma_start3A_50] : memref<10240x16xf32, #tpu.memory_space<vmem_shared>> -> memref<128x16xf32, #tpu.memory_space<vmem_shared>>
      tpu.enqueue_dma source(%arg5 : memref<128x16xf32, #tpu.memory_space<vmem>>) target(%dma_start3A_51 : memref<128x16xf32, #tpu.memory_space<vmem_shared>>) target_semaphore(%run_scoped3A : memref<!tpu.dma_semaphore, #tpu.memory_space<semaphore_mem>>)
      %dma_wait3A = arith.constant 0 : i32
      %dma_wait3A_52 = tpu.memref_slice %arg6[%add3A_19, %dma_wait3A] : memref<10240x16xf32, #tpu.memory_space<vmem_shared>> -> memref<128x16xf32, #tpu.memory_space<vmem_shared>>
      %dma_wait3A_53 = arith.constant 0 : i32
      %dma_wait3A_54 = tpu.memref_slice %arg6[%add3A_19, %dma_wait3A_53] : memref<10240x16xf32, #tpu.memory_space<vmem_shared>> -> memref<128x16xf32, #tpu.memory_space<vmem_shared>>
      tpu.wait_dma2 semaphore(%run_scoped3A : memref<!tpu.dma_semaphore, #tpu.memory_space<semaphore_mem>>) src(%arg5 : memref<128x16xf32, #tpu.memory_space<vmem>>) dst(%dma_wait3A_54 : memref<128x16xf32, #tpu.memory_space<vmem_shared>>)
      tpu.yield
    }) : () -> ()
    %mul3A_20 = arith.constant 640 : i32
    %mul3A_21 = arith.muli %arg1, %mul3A_20 : i32
    %add3A_22 = arith.constant 384 : i32
    %add3A_23 = arith.addi %mul3A_21, %add3A_22 : i32
    "tpu.region"() ({
      %run_scoped3A = tpu.sem_alloc : memref<!tpu.dma_semaphore, #tpu.memory_space<semaphore_mem>>
      %dma_start3A = arith.constant 0 : i32
      %dma_start3A_49 = tpu.memref_slice %arg6[%add3A_23, %dma_start3A] : memref<10240x16xf32, #tpu.memory_space<vmem_shared>> -> memref<128x16xf32, #tpu.memory_space<vmem_shared>>
      %dma_start3A_50 = arith.constant 0 : i32
      %dma_start3A_51 = tpu.memref_slice %arg6[%add3A_23, %dma_start3A_50] : memref<10240x16xf32, #tpu.memory_space<vmem_shared>> -> memref<128x16xf32, #tpu.memory_space<vmem_shared>>
      tpu.enqueue_dma source(%arg5 : memref<128x16xf32, #tpu.memory_space<vmem>>) target(%dma_start3A_51 : memref<128x16xf32, #tpu.memory_space<vmem_shared>>) target_semaphore(%run_scoped3A : memref<!tpu.dma_semaphore, #tpu.memory_space<semaphore_mem>>)
      %dma_wait3A = arith.constant 0 : i32
      %dma_wait3A_52 = tpu.memref_slice %arg6[%add3A_23, %dma_wait3A] : memref<10240x16xf32, #tpu.memory_space<vmem_shared>> -> memref<128x16xf32, #tpu.memory_space<vmem_shared>>
      %dma_wait3A_53 = arith.constant 0 : i32
      %dma_wait3A_54 = tpu.memref_slice %arg6[%add3A_23, %dma_wait3A_53] : memref<10240x16xf32, #tpu.memory_space<vmem_shared>> -> memref<128x16xf32, #tpu.memory_space<vmem_shared>>
      tpu.wait_dma2 semaphore(%run_scoped3A : memref<!tpu.dma_semaphore, #tpu.memory_space<semaphore_mem>>) src(%arg5 : memref<128x16xf32, #tpu.memory_space<vmem>>) dst(%dma_wait3A_54 : memref<128x16xf32, #tpu.memory_space<vmem_shared>>)
      tpu.yield
    }) : () -> ()
    %mul3A_24 = arith.constant 640 : i32
    %mul3A_25 = arith.muli %arg1, %mul3A_24 : i32
    %add3A_26 = arith.constant 512 : i32
    %add3A_27 = arith.addi %mul3A_25, %add3A_26 : i32
    "tpu.region"() ({
      %run_scoped3A = tpu.sem_alloc : memref<!tpu.dma_semaphore, #tpu.memory_space<semaphore_mem>>
      %dma_start3A = arith.constant 0 : i32
      %dma_start3A_49 = tpu.memref_slice %arg6[%add3A_27, %dma_start3A] : memref<10240x16xf32, #tpu.memory_space<vmem_shared>> -> memref<128x16xf32, #tpu.memory_space<vmem_shared>>
      %dma_start3A_50 = arith.constant 0 : i32
      %dma_start3A_51 = tpu.memref_slice %arg6[%add3A_27, %dma_start3A_50] : memref<10240x16xf32, #tpu.memory_space<vmem_shared>> -> memref<128x16xf32, #tpu.memory_space<vmem_shared>>
      tpu.enqueue_dma source(%arg5 : memref<128x16xf32, #tpu.memory_space<vmem>>) target(%dma_start3A_51 : memref<128x16xf32, #tpu.memory_space<vmem_shared>>) target_semaphore(%run_scoped3A : memref<!tpu.dma_semaphore, #tpu.memory_space<semaphore_mem>>)
      %dma_wait3A = arith.constant 0 : i32
      %dma_wait3A_52 = tpu.memref_slice %arg6[%add3A_27, %dma_wait3A] : memref<10240x16xf32, #tpu.memory_space<vmem_shared>> -> memref<128x16xf32, #tpu.memory_space<vmem_shared>>
      %dma_wait3A_53 = arith.constant 0 : i32
      %dma_wait3A_54 = tpu.memref_slice %arg6[%add3A_27, %dma_wait3A_53] : memref<10240x16xf32, #tpu.memory_space<vmem_shared>> -> memref<128x16xf32, #tpu.memory_space<vmem_shared>>
      tpu.wait_dma2 semaphore(%run_scoped3A : memref<!tpu.dma_semaphore, #tpu.memory_space<semaphore_mem>>) src(%arg5 : memref<128x16xf32, #tpu.memory_space<vmem>>) dst(%dma_wait3A_54 : memref<128x16xf32, #tpu.memory_space<vmem_shared>>)
      tpu.yield
    }) : () -> ()
    %broadcast_in_dim3A_28 = arith.constant 1.000000e+00 : f32
    %broadcast_in_dim3A_29 = vector.broadcast %broadcast_in_dim3A_28 : f32 to vector<16xf32>
    %scan3A_30 = arith.constant 0 : i32
    %scan3A_31 = arith.constant 0 : i32
    %scan3A_32 = arith.constant 128 : i32
    %scan3A_33 = arith.addi %scan3A_31, %scan3A_32 : i32
    %scan3A_34 = arith.constant 1 : i32
    %scan3A_35 = scf.for %scan3A_49 = %scan3A_31 to %scan3A_33 step %scan3A_34 iter_args(%scan3A_50 = %scan3A_30) -> (i32)  : i32 {
      %swap3A = arith.index_cast %scan3A_49 : i32 to index
      %swap3A_51 = arith.constant 0 : index
      %swap3A_52 = tpu.vector_load %arg5[%swap3A, %swap3A_51] {strides = array<i32>} : memref<128x16xf32, #tpu.memory_space<vmem>>, vector<1x16xf32>,
      %swap3A_53 = vector.shape_cast %swap3A_52 : vector<1x16xf32> to vector<16xf32>
      %swap3A_54 = vector.shape_cast %broadcast_in_dim3A_29 : vector<16xf32> to vector<1x16xf32>
      tpu.vector_store %arg5[%swap3A, %swap3A_51], %swap3A_54 {strides = array<i32>} : memref<128x16xf32, #tpu.memory_space<vmem>>, vector<1x16xf32>,
      %scan3A_55 = arith.constant 0 : i32
      scf.yield %scan3A_55 : i32
    }
    %scan3A_36 = arith.constant 128 : i32
    %barrier3A = arith.constant 0 : index
    tpu.barrier barrier_id(%barrier3A)
    %scan3A_37 = arith.constant 0 : i32
    %scan3A_38 = arith.constant 0 : i32
    %scan3A_39 = arith.constant 80 : i32
    %scan3A_40 = arith.addi %scan3A_38, %scan3A_39 : i32
    %scan3A_41 = arith.constant 1 : i32
    %scan3A_42 = scf.for %scan3A_49 = %scan3A_38 to %scan3A_40 step %scan3A_41 iter_args(%scan3A_50 = %scan3A_37) -> (i32)  : i32 {
      "tpu.region"() ({
        %run_scoped3A = tpu.sem_alloc : memref<!tpu.dma_semaphore, #tpu.memory_space<semaphore_mem>>
        %dma_start3A = arith.constant 0 : i32
        %dma_start3A_52 = tpu.memref_slice %arg4[%scan3A_49, %dma_start3A] : memref<80x128xi32, #tpu.memory_space<vmem>> -> memref<1x128xi32, #tpu.memory_space<vmem>>
        %dma_start3A_53 = tpu.memref_squeeze %dma_start3A_52 : memref<1x128xi32, #tpu.memory_space<vmem>> -> memref<128xi32, #tpu.memory_space<vmem>>
        %dma_start3A_54 = arith.constant 0 : i32
        %dma_start3A_55 = arith.constant 0 : i32
        %dma_start3A_56 = tpu.memref_slice %arg6[%dma_start3A_54, %dma_start3A_55] : memref<10240x16xf32, #tpu.memory_space<vmem_shared>> -> memref<10240x16xf32, #tpu.memory_space<vmem_shared>>
        tpu.enqueue_indirect_dma source(%arg5 : memref<128x16xf32, #tpu.memory_space<vmem>>) target(%dma_start3A_56 : memref<10240x16xf32, #tpu.memory_space<vmem_shared>>) offsets(%dma_start3A_53 : memref<128xi32, #tpu.memory_space<vmem>>) semaphore(%run_scoped3A : memref<!tpu.dma_semaphore, #tpu.memory_space<semaphore_mem>>) {add = true}
        %dma_wait3A = arith.constant 0 : i32
        %dma_wait3A_57 = tpu.memref_slice %arg4[%scan3A_49, %dma_wait3A] : memref<80x128xi32, #tpu.memory_space<vmem>> -> memref<1x128xi32, #tpu.memory_space<vmem>>
        %dma_wait3A_58 = tpu.memref_squeeze %dma_wait3A_57 : memref<1x128xi32, #tpu.memory_space<vmem>> -> memref<128xi32, #tpu.memory_space<vmem>>
        %dma_wait3A_59 = arith.constant 0 : i32
        %dma_wait3A_60 = arith.constant 0 : i32
        %dma_wait3A_61 = tpu.memref_slice %arg6[%dma_wait3A_59, %dma_wait3A_60] : memref<10240x16xf32, #tpu.memory_space<vmem_shared>> -> memref<10240x16xf32, #tpu.memory_space<vmem_shared>>
        tpu.wait_indirect_dma semaphore(%run_scoped3A : memref<!tpu.dma_semaphore, #tpu.memory_space<semaphore_mem>>) src(%arg5 : memref<128x16xf32, #tpu.memory_space<vmem>>) dst(%dma_wait3A_61 : memref<10240x16xf32, #tpu.memory_space<vmem_shared>>)
        tpu.yield
      }) : () -> ()
      %scan3A_51 = arith.constant 0 : i32
      scf.yield %scan3A_51 : i32
    }
    %scan3A_43 = arith.constant 80 : i32
    %barrier3A_44 = arith.constant 0 : index
    tpu.barrier barrier_id(%barrier3A_44)
    %mul3A_45 = arith.constant 640 : i32
    %mul3A_46 = arith.muli %arg1, %mul3A_45 : i32
    %mul3A_47 = arith.constant 640 : i32
    %mul3A_48 = arith.muli %arg1, %mul3A_47 : i32
    "tpu.region"() ({
      %run_scoped3A = tpu.sem_alloc : memref<!tpu.dma_semaphore, #tpu.memory_space<semaphore_mem>>
      %dma_start3A = arith.constant 0 : i32
      %dma_start3A_49 = tpu.memref_slice %arg3[%arg0, %mul3A_48, %dma_start3A] : memref<2x10240x16xf32, #tpu.memory_space<hbm>> -> memref<1x640x16xf32, #tpu.memory_space<hbm>>
      %dma_start3A_50 = tpu.memref_squeeze %dma_start3A_49 : memref<1x640x16xf32, #tpu.memory_space<hbm>> -> memref<640x16xf32, #tpu.memory_space<hbm>>
      %dma_start3A_51 = arith.constant 0 : i32
      %dma_start3A_52 = tpu.memref_slice %arg6[%mul3A_46, %dma_start3A_51] : memref<10240x16xf32, #tpu.memory_space<vmem_shared>> -> memref<640x16xf32, #tpu.memory_space<vmem_shared>>
      tpu.enqueue_dma source(%dma_start3A_52 : memref<640x16xf32, #tpu.memory_space<vmem_shared>>) target(%dma_start3A_50 : memref<640x16xf32, #tpu.memory_space<hbm>>) target_semaphore(%run_scoped3A : memref<!tpu.dma_semaphore, #tpu.memory_space<semaphore_mem>>)
      %dma_wait3A = arith.constant 0 : i32
      %dma_wait3A_53 = tpu.memref_slice %arg3[%arg0, %mul3A_48, %dma_wait3A] : memref<2x10240x16xf32, #tpu.memory_space<hbm>> -> memref<1x640x16xf32, #tpu.memory_space<hbm>>
      %dma_wait3A_54 = tpu.memref_squeeze %dma_wait3A_53 : memref<1x640x16xf32, #tpu.memory_space<hbm>> -> memref<640x16xf32, #tpu.memory_space<hbm>>
      %dma_wait3A_55 = arith.constant 0 : i32
      %dma_wait3A_56 = tpu.memref_slice %arg6[%mul3A_46, %dma_wait3A_55] : memref<10240x16xf32, #tpu.memory_space<vmem_shared>> -> memref<640x16xf32, #tpu.memory_space<vmem_shared>>
      tpu.wait_dma2 semaphore(%run_scoped3A : memref<!tpu.dma_semaphore, #tpu.memory_space<semaphore_mem>>) src(%dma_wait3A_56 : memref<640x16xf32, #tpu.memory_space<vmem_shared>>) dst(%dma_wait3A_54 : memref<640x16xf32, #tpu.memory_space<hbm>>)
      tpu.yield
    }) : () -> ()
    return
  }
}

#map = affine_map<(d0, d1) -> (0, 0)>
#map1 = affine_map<(d0, d1) -> (0, 0, 0)>
module attributes {stable_mosaic.version = 14 : i64} {
  func.func @scat_kernel(%arg0: i32, %arg1: i32, %arg2: memref<10240x128xf32, #tpu.memory_space<hbm>>, %arg3: memref<32x80x128xi32, #tpu.memory_space<hbm>>, %arg4: memref<32x80x128xi32, #tpu.memory_space<hbm>>, %arg5: memref<2x10240x128xf32, #tpu.memory_space<hbm>>, %arg6: memref<80x128xi32, #tpu.memory_space<vmem>>, %arg7: memref<80x128xi32, #tpu.memory_space<vmem>>, %arg8: memref<128x128xf32, #tpu.memory_space<vmem>>, %arg9: memref<10240x128xf32, #tpu.memory_space<vmem_shared>>, %arg10: memref<!tpu.dma_semaphore, #tpu.memory_space<semaphore_mem>>) attributes {dimension_semantics = [#tpu.dimension_semantics<core_parallel>, #tpu.dimension_semantics<subcore_parallel>], iteration_bounds = array<i64: 2, 16>, scalar_prefetch = 0 : i64, scratch_operands = 5 : i64, tpu.core_type = #tpu.core_type<sc_vector_subcore>, window_params = [{transform_indices = #map}, {transform_indices = #map1}, {transform_indices = #map1}, {transform_indices = #map1}]} {
    %mul3A = arith.constant 16 : i32
    %mul3A_0 = arith.muli %arg0, %mul3A : i32
    %add3A = arith.addi %mul3A_0, %arg1 : i32
    "tpu.region"() ({
      %run_scoped3A = tpu.sem_alloc : memref<!tpu.dma_semaphore, #tpu.memory_space<semaphore_mem>>
      %dma_start3A = arith.constant 0 : i32
      %dma_start3A_40 = arith.constant 0 : i32
      %dma_start3A_41 = tpu.memref_slice %arg3[%add3A, %dma_start3A, %dma_start3A_40] : memref<32x80x128xi32, #tpu.memory_space<hbm>> -> memref<1x80x128xi32, #tpu.memory_space<hbm>>
      %dma_start3A_42 = tpu.memref_squeeze %dma_start3A_41 : memref<1x80x128xi32, #tpu.memory_space<hbm>> -> memref<80x128xi32, #tpu.memory_space<hbm>>
      %dma_start3A_43 = arith.constant 0 : i32
      %dma_start3A_44 = arith.constant 0 : i32
      %dma_start3A_45 = tpu.memref_slice %arg3[%add3A, %dma_start3A_43, %dma_start3A_44] : memref<32x80x128xi32, #tpu.memory_space<hbm>> -> memref<1x80x128xi32, #tpu.memory_space<hbm>>
      %dma_start3A_46 = tpu.memref_squeeze %dma_start3A_45 : memref<1x80x128xi32, #tpu.memory_space<hbm>> -> memref<80x128xi32, #tpu.memory_space<hbm>>
      tpu.enqueue_dma source(%dma_start3A_46 : memref<80x128xi32, #tpu.memory_space<hbm>>) target(%arg6 : memref<80x128xi32, #tpu.memory_space<vmem>>) target_semaphore(%run_scoped3A : memref<!tpu.dma_semaphore, #tpu.memory_space<semaphore_mem>>)
      %dma_wait3A = arith.constant 0 : i32
      %dma_wait3A_47 = arith.constant 0 : i32
      %dma_wait3A_48 = tpu.memref_slice %arg3[%add3A, %dma_wait3A, %dma_wait3A_47] : memref<32x80x128xi32, #tpu.memory_space<hbm>> -> memref<1x80x128xi32, #tpu.memory_space<hbm>>
      %dma_wait3A_49 = tpu.memref_squeeze %dma_wait3A_48 : memref<1x80x128xi32, #tpu.memory_space<hbm>> -> memref<80x128xi32, #tpu.memory_space<hbm>>
      %dma_wait3A_50 = arith.constant 0 : i32
      %dma_wait3A_51 = arith.constant 0 : i32
      %dma_wait3A_52 = tpu.memref_slice %arg3[%add3A, %dma_wait3A_50, %dma_wait3A_51] : memref<32x80x128xi32, #tpu.memory_space<hbm>> -> memref<1x80x128xi32, #tpu.memory_space<hbm>>
      %dma_wait3A_53 = tpu.memref_squeeze %dma_wait3A_52 : memref<1x80x128xi32, #tpu.memory_space<hbm>> -> memref<80x128xi32, #tpu.memory_space<hbm>>
      tpu.wait_dma2 semaphore(%run_scoped3A : memref<!tpu.dma_semaphore, #tpu.memory_space<semaphore_mem>>) src(%dma_wait3A_53 : memref<80x128xi32, #tpu.memory_space<hbm>>) dst(%arg6 : memref<80x128xi32, #tpu.memory_space<vmem>>)
      tpu.yield
    }) : () -> ()
    "tpu.region"() ({
      %run_scoped3A = tpu.sem_alloc : memref<!tpu.dma_semaphore, #tpu.memory_space<semaphore_mem>>
      %dma_start3A = arith.constant 0 : i32
      %dma_start3A_40 = arith.constant 0 : i32
      %dma_start3A_41 = tpu.memref_slice %arg4[%add3A, %dma_start3A, %dma_start3A_40] : memref<32x80x128xi32, #tpu.memory_space<hbm>> -> memref<1x80x128xi32, #tpu.memory_space<hbm>>
      %dma_start3A_42 = tpu.memref_squeeze %dma_start3A_41 : memref<1x80x128xi32, #tpu.memory_space<hbm>> -> memref<80x128xi32, #tpu.memory_space<hbm>>
      %dma_start3A_43 = arith.constant 0 : i32
      %dma_start3A_44 = arith.constant 0 : i32
      %dma_start3A_45 = tpu.memref_slice %arg4[%add3A, %dma_start3A_43, %dma_start3A_44] : memref<32x80x128xi32, #tpu.memory_space<hbm>> -> memref<1x80x128xi32, #tpu.memory_space<hbm>>
      %dma_start3A_46 = tpu.memref_squeeze %dma_start3A_45 : memref<1x80x128xi32, #tpu.memory_space<hbm>> -> memref<80x128xi32, #tpu.memory_space<hbm>>
      tpu.enqueue_dma source(%dma_start3A_46 : memref<80x128xi32, #tpu.memory_space<hbm>>) target(%arg7 : memref<80x128xi32, #tpu.memory_space<vmem>>) target_semaphore(%run_scoped3A : memref<!tpu.dma_semaphore, #tpu.memory_space<semaphore_mem>>)
      %dma_wait3A = arith.constant 0 : i32
      %dma_wait3A_47 = arith.constant 0 : i32
      %dma_wait3A_48 = tpu.memref_slice %arg4[%add3A, %dma_wait3A, %dma_wait3A_47] : memref<32x80x128xi32, #tpu.memory_space<hbm>> -> memref<1x80x128xi32, #tpu.memory_space<hbm>>
      %dma_wait3A_49 = tpu.memref_squeeze %dma_wait3A_48 : memref<1x80x128xi32, #tpu.memory_space<hbm>> -> memref<80x128xi32, #tpu.memory_space<hbm>>
      %dma_wait3A_50 = arith.constant 0 : i32
      %dma_wait3A_51 = arith.constant 0 : i32
      %dma_wait3A_52 = tpu.memref_slice %arg4[%add3A, %dma_wait3A_50, %dma_wait3A_51] : memref<32x80x128xi32, #tpu.memory_space<hbm>> -> memref<1x80x128xi32, #tpu.memory_space<hbm>>
      %dma_wait3A_53 = tpu.memref_squeeze %dma_wait3A_52 : memref<1x80x128xi32, #tpu.memory_space<hbm>> -> memref<80x128xi32, #tpu.memory_space<hbm>>
      tpu.wait_dma2 semaphore(%run_scoped3A : memref<!tpu.dma_semaphore, #tpu.memory_space<semaphore_mem>>) src(%dma_wait3A_53 : memref<80x128xi32, #tpu.memory_space<hbm>>) dst(%arg7 : memref<80x128xi32, #tpu.memory_space<vmem>>)
      tpu.yield
    }) : () -> ()
    %broadcast_in_dim3A = arith.constant 0.000000e+00 : f32
    %broadcast_in_dim3A_1 = vector.broadcast %broadcast_in_dim3A : f32 to vector<16xf32>
    %scan3A = arith.constant 0 : i32
    %scan3A_2 = arith.constant 0 : i32
    %scan3A_3 = arith.constant 128 : i32
    %scan3A_4 = arith.addi %scan3A_2, %scan3A_3 : i32
    %scan3A_5 = arith.constant 1 : i32
    %scan3A_6 = scf.for %scan3A_40 = %scan3A_2 to %scan3A_4 step %scan3A_5 iter_args(%scan3A_41 = %scan3A) -> (i32)  : i32 {
      %swap3A = arith.index_cast %scan3A_40 : i32 to index
      %swap3A_42 = arith.constant 0 : index
      %swap3A_43 = tpu.vector_load %arg8[%swap3A, %swap3A_42] {strides = array<i32>} : memref<128x128xf32, #tpu.memory_space<vmem>>, vector<1x16xf32>,
      %swap3A_44 = vector.shape_cast %swap3A_43 : vector<1x16xf32> to vector<16xf32>
      %swap3A_45 = vector.shape_cast %broadcast_in_dim3A_1 : vector<16xf32> to vector<1x16xf32>
      tpu.vector_store %arg8[%swap3A, %swap3A_42], %swap3A_45 {strides = array<i32>} : memref<128x128xf32, #tpu.memory_space<vmem>>, vector<1x16xf32>,
      %swap3A_46 = arith.index_cast %scan3A_40 : i32 to index
      %swap3A_47 = arith.constant 16 : index
      %swap3A_48 = tpu.vector_load %arg8[%swap3A_46, %swap3A_47] {strides = array<i32>} : memref<128x128xf32, #tpu.memory_space<vmem>>, vector<1x16xf32>,
      %swap3A_49 = vector.shape_cast %swap3A_48 : vector<1x16xf32> to vector<16xf32>
      %swap3A_50 = vector.shape_cast %broadcast_in_dim3A_1 : vector<16xf32> to vector<1x16xf32>
      tpu.vector_store %arg8[%swap3A_46, %swap3A_47], %swap3A_50 {strides = array<i32>} : memref<128x128xf32, #tpu.memory_space<vmem>>, vector<1x16xf32>,
      %swap3A_51 = arith.index_cast %scan3A_40 : i32 to index
      %swap3A_52 = arith.constant 32 : index
      %swap3A_53 = tpu.vector_load %arg8[%swap3A_51, %swap3A_52] {strides = array<i32>} : memref<128x128xf32, #tpu.memory_space<vmem>>, vector<1x16xf32>,
      %swap3A_54 = vector.shape_cast %swap3A_53 : vector<1x16xf32> to vector<16xf32>
      %swap3A_55 = vector.shape_cast %broadcast_in_dim3A_1 : vector<16xf32> to vector<1x16xf32>
      tpu.vector_store %arg8[%swap3A_51, %swap3A_52], %swap3A_55 {strides = array<i32>} : memref<128x128xf32, #tpu.memory_space<vmem>>, vector<1x16xf32>,
      %swap3A_56 = arith.index_cast %scan3A_40 : i32 to index
      %swap3A_57 = arith.constant 48 : index
      %swap3A_58 = tpu.vector_load %arg8[%swap3A_56, %swap3A_57] {strides = array<i32>} : memref<128x128xf32, #tpu.memory_space<vmem>>, vector<1x16xf32>,
      %swap3A_59 = vector.shape_cast %swap3A_58 : vector<1x16xf32> to vector<16xf32>
      %swap3A_60 = vector.shape_cast %broadcast_in_dim3A_1 : vector<16xf32> to vector<1x16xf32>
      tpu.vector_store %arg8[%swap3A_56, %swap3A_57], %swap3A_60 {strides = array<i32>} : memref<128x128xf32, #tpu.memory_space<vmem>>, vector<1x16xf32>,
      %swap3A_61 = arith.index_cast %scan3A_40 : i32 to index
      %swap3A_62 = arith.constant 64 : index
      %swap3A_63 = tpu.vector_load %arg8[%swap3A_61, %swap3A_62] {strides = array<i32>} : memref<128x128xf32, #tpu.memory_space<vmem>>, vector<1x16xf32>,
      %swap3A_64 = vector.shape_cast %swap3A_63 : vector<1x16xf32> to vector<16xf32>
      %swap3A_65 = vector.shape_cast %broadcast_in_dim3A_1 : vector<16xf32> to vector<1x16xf32>
      tpu.vector_store %arg8[%swap3A_61, %swap3A_62], %swap3A_65 {strides = array<i32>} : memref<128x128xf32, #tpu.memory_space<vmem>>, vector<1x16xf32>,
      %swap3A_66 = arith.index_cast %scan3A_40 : i32 to index
      %swap3A_67 = arith.constant 80 : index
      %swap3A_68 = tpu.vector_load %arg8[%swap3A_66, %swap3A_67] {strides = array<i32>} : memref<128x128xf32, #tpu.memory_space<vmem>>, vector<1x16xf32>,
      %swap3A_69 = vector.shape_cast %swap3A_68 : vector<1x16xf32> to vector<16xf32>
      %swap3A_70 = vector.shape_cast %broadcast_in_dim3A_1 : vector<16xf32> to vector<1x16xf32>
      tpu.vector_store %arg8[%swap3A_66, %swap3A_67], %swap3A_70 {strides = array<i32>} : memref<128x128xf32, #tpu.memory_space<vmem>>, vector<1x16xf32>,
      %swap3A_71 = arith.index_cast %scan3A_40 : i32 to index
      %swap3A_72 = arith.constant 96 : index
      %swap3A_73 = tpu.vector_load %arg8[%swap3A_71, %swap3A_72] {strides = array<i32>} : memref<128x128xf32, #tpu.memory_space<vmem>>, vector<1x16xf32>,
      %swap3A_74 = vector.shape_cast %swap3A_73 : vector<1x16xf32> to vector<16xf32>
      %swap3A_75 = vector.shape_cast %broadcast_in_dim3A_1 : vector<16xf32> to vector<1x16xf32>
      tpu.vector_store %arg8[%swap3A_71, %swap3A_72], %swap3A_75 {strides = array<i32>} : memref<128x128xf32, #tpu.memory_space<vmem>>, vector<1x16xf32>,
      %swap3A_76 = arith.index_cast %scan3A_40 : i32 to index
      %swap3A_77 = arith.constant 112 : index
      %swap3A_78 = tpu.vector_load %arg8[%swap3A_76, %swap3A_77] {strides = array<i32>} : memref<128x128xf32, #tpu.memory_space<vmem>>, vector<1x16xf32>,
      %swap3A_79 = vector.shape_cast %swap3A_78 : vector<1x16xf32> to vector<16xf32>
      %swap3A_80 = vector.shape_cast %broadcast_in_dim3A_1 : vector<16xf32> to vector<1x16xf32>
      tpu.vector_store %arg8[%swap3A_76, %swap3A_77], %swap3A_80 {strides = array<i32>} : memref<128x128xf32, #tpu.memory_space<vmem>>, vector<1x16xf32>,
      %scan3A_81 = arith.constant 0 : i32
      scf.yield %scan3A_81 : i32
    }
    %scan3A_7 = arith.constant 128 : i32
    %mul3A_8 = arith.constant 640 : i32
    %mul3A_9 = arith.muli %arg1, %mul3A_8 : i32
    %add3A_10 = arith.constant 0 : i32
    %add3A_11 = arith.addi %mul3A_9, %add3A_10 : i32
    "tpu.region"() ({
      %run_scoped3A = tpu.sem_alloc : memref<!tpu.dma_semaphore, #tpu.memory_space<semaphore_mem>>
      %dma_start3A = arith.constant 0 : i32
      %dma_start3A_40 = tpu.memref_slice %arg9[%add3A_11, %dma_start3A] : memref<10240x128xf32, #tpu.memory_space<vmem_shared>> -> memref<128x128xf32, #tpu.memory_space<vmem_shared>>
      %dma_start3A_41 = arith.constant 0 : i32
      %dma_start3A_42 = tpu.memref_slice %arg9[%add3A_11, %dma_start3A_41] : memref<10240x128xf32, #tpu.memory_space<vmem_shared>> -> memref<128x128xf32, #tpu.memory_space<vmem_shared>>
      tpu.enqueue_dma source(%arg8 : memref<128x128xf32, #tpu.memory_space<vmem>>) target(%dma_start3A_42 : memref<128x128xf32, #tpu.memory_space<vmem_shared>>) target_semaphore(%run_scoped3A : memref<!tpu.dma_semaphore, #tpu.memory_space<semaphore_mem>>)
      %dma_wait3A = arith.constant 0 : i32
      %dma_wait3A_43 = tpu.memref_slice %arg9[%add3A_11, %dma_wait3A] : memref<10240x128xf32, #tpu.memory_space<vmem_shared>> -> memref<128x128xf32, #tpu.memory_space<vmem_shared>>
      %dma_wait3A_44 = arith.constant 0 : i32
      %dma_wait3A_45 = tpu.memref_slice %arg9[%add3A_11, %dma_wait3A_44] : memref<10240x128xf32, #tpu.memory_space<vmem_shared>> -> memref<128x128xf32, #tpu.memory_space<vmem_shared>>
      tpu.wait_dma2 semaphore(%run_scoped3A : memref<!tpu.dma_semaphore, #tpu.memory_space<semaphore_mem>>) src(%arg8 : memref<128x128xf32, #tpu.memory_space<vmem>>) dst(%dma_wait3A_45 : memref<128x128xf32, #tpu.memory_space<vmem_shared>>)
      tpu.yield
    }) : () -> ()
    %mul3A_12 = arith.constant 640 : i32
    %mul3A_13 = arith.muli %arg1, %mul3A_12 : i32
    %add3A_14 = arith.constant 128 : i32
    %add3A_15 = arith.addi %mul3A_13, %add3A_14 : i32
    "tpu.region"() ({
      %run_scoped3A = tpu.sem_alloc : memref<!tpu.dma_semaphore, #tpu.memory_space<semaphore_mem>>
      %dma_start3A = arith.constant 0 : i32
      %dma_start3A_40 = tpu.memref_slice %arg9[%add3A_15, %dma_start3A] : memref<10240x128xf32, #tpu.memory_space<vmem_shared>> -> memref<128x128xf32, #tpu.memory_space<vmem_shared>>
      %dma_start3A_41 = arith.constant 0 : i32
      %dma_start3A_42 = tpu.memref_slice %arg9[%add3A_15, %dma_start3A_41] : memref<10240x128xf32, #tpu.memory_space<vmem_shared>> -> memref<128x128xf32, #tpu.memory_space<vmem_shared>>
      tpu.enqueue_dma source(%arg8 : memref<128x128xf32, #tpu.memory_space<vmem>>) target(%dma_start3A_42 : memref<128x128xf32, #tpu.memory_space<vmem_shared>>) target_semaphore(%run_scoped3A : memref<!tpu.dma_semaphore, #tpu.memory_space<semaphore_mem>>)
      %dma_wait3A = arith.constant 0 : i32
      %dma_wait3A_43 = tpu.memref_slice %arg9[%add3A_15, %dma_wait3A] : memref<10240x128xf32, #tpu.memory_space<vmem_shared>> -> memref<128x128xf32, #tpu.memory_space<vmem_shared>>
      %dma_wait3A_44 = arith.constant 0 : i32
      %dma_wait3A_45 = tpu.memref_slice %arg9[%add3A_15, %dma_wait3A_44] : memref<10240x128xf32, #tpu.memory_space<vmem_shared>> -> memref<128x128xf32, #tpu.memory_space<vmem_shared>>
      tpu.wait_dma2 semaphore(%run_scoped3A : memref<!tpu.dma_semaphore, #tpu.memory_space<semaphore_mem>>) src(%arg8 : memref<128x128xf32, #tpu.memory_space<vmem>>) dst(%dma_wait3A_45 : memref<128x128xf32, #tpu.memory_space<vmem_shared>>)
      tpu.yield
    }) : () -> ()
    %mul3A_16 = arith.constant 640 : i32
    %mul3A_17 = arith.muli %arg1, %mul3A_16 : i32
    %add3A_18 = arith.constant 256 : i32
    %add3A_19 = arith.addi %mul3A_17, %add3A_18 : i32
    "tpu.region"() ({
      %run_scoped3A = tpu.sem_alloc : memref<!tpu.dma_semaphore, #tpu.memory_space<semaphore_mem>>
      %dma_start3A = arith.constant 0 : i32
      %dma_start3A_40 = tpu.memref_slice %arg9[%add3A_19, %dma_start3A] : memref<10240x128xf32, #tpu.memory_space<vmem_shared>> -> memref<128x128xf32, #tpu.memory_space<vmem_shared>>
      %dma_start3A_41 = arith.constant 0 : i32
      %dma_start3A_42 = tpu.memref_slice %arg9[%add3A_19, %dma_start3A_41] : memref<10240x128xf32, #tpu.memory_space<vmem_shared>> -> memref<128x128xf32, #tpu.memory_space<vmem_shared>>
      tpu.enqueue_dma source(%arg8 : memref<128x128xf32, #tpu.memory_space<vmem>>) target(%dma_start3A_42 : memref<128x128xf32, #tpu.memory_space<vmem_shared>>) target_semaphore(%run_scoped3A : memref<!tpu.dma_semaphore, #tpu.memory_space<semaphore_mem>>)
      %dma_wait3A = arith.constant 0 : i32
      %dma_wait3A_43 = tpu.memref_slice %arg9[%add3A_19, %dma_wait3A] : memref<10240x128xf32, #tpu.memory_space<vmem_shared>> -> memref<128x128xf32, #tpu.memory_space<vmem_shared>>
      %dma_wait3A_44 = arith.constant 0 : i32
      %dma_wait3A_45 = tpu.memref_slice %arg9[%add3A_19, %dma_wait3A_44] : memref<10240x128xf32, #tpu.memory_space<vmem_shared>> -> memref<128x128xf32, #tpu.memory_space<vmem_shared>>
      tpu.wait_dma2 semaphore(%run_scoped3A : memref<!tpu.dma_semaphore, #tpu.memory_space<semaphore_mem>>) src(%arg8 : memref<128x128xf32, #tpu.memory_space<vmem>>) dst(%dma_wait3A_45 : memref<128x128xf32, #tpu.memory_space<vmem_shared>>)
      tpu.yield
    }) : () -> ()
    %mul3A_20 = arith.constant 640 : i32
    %mul3A_21 = arith.muli %arg1, %mul3A_20 : i32
    %add3A_22 = arith.constant 384 : i32
    %add3A_23 = arith.addi %mul3A_21, %add3A_22 : i32
    "tpu.region"() ({
      %run_scoped3A = tpu.sem_alloc : memref<!tpu.dma_semaphore, #tpu.memory_space<semaphore_mem>>
      %dma_start3A = arith.constant 0 : i32
      %dma_start3A_40 = tpu.memref_slice %arg9[%add3A_23, %dma_start3A] : memref<10240x128xf32, #tpu.memory_space<vmem_shared>> -> memref<128x128xf32, #tpu.memory_space<vmem_shared>>
      %dma_start3A_41 = arith.constant 0 : i32
      %dma_start3A_42 = tpu.memref_slice %arg9[%add3A_23, %dma_start3A_41] : memref<10240x128xf32, #tpu.memory_space<vmem_shared>> -> memref<128x128xf32, #tpu.memory_space<vmem_shared>>
      tpu.enqueue_dma source(%arg8 : memref<128x128xf32, #tpu.memory_space<vmem>>) target(%dma_start3A_42 : memref<128x128xf32, #tpu.memory_space<vmem_shared>>) target_semaphore(%run_scoped3A : memref<!tpu.dma_semaphore, #tpu.memory_space<semaphore_mem>>)
      %dma_wait3A = arith.constant 0 : i32
      %dma_wait3A_43 = tpu.memref_slice %arg9[%add3A_23, %dma_wait3A] : memref<10240x128xf32, #tpu.memory_space<vmem_shared>> -> memref<128x128xf32, #tpu.memory_space<vmem_shared>>
      %dma_wait3A_44 = arith.constant 0 : i32
      %dma_wait3A_45 = tpu.memref_slice %arg9[%add3A_23, %dma_wait3A_44] : memref<10240x128xf32, #tpu.memory_space<vmem_shared>> -> memref<128x128xf32, #tpu.memory_space<vmem_shared>>
      tpu.wait_dma2 semaphore(%run_scoped3A : memref<!tpu.dma_semaphore, #tpu.memory_space<semaphore_mem>>) src(%arg8 : memref<128x128xf32, #tpu.memory_space<vmem>>) dst(%dma_wait3A_45 : memref<128x128xf32, #tpu.memory_space<vmem_shared>>)
      tpu.yield
    }) : () -> ()
    %mul3A_24 = arith.constant 640 : i32
    %mul3A_25 = arith.muli %arg1, %mul3A_24 : i32
    %add3A_26 = arith.constant 512 : i32
    %add3A_27 = arith.addi %mul3A_25, %add3A_26 : i32
    "tpu.region"() ({
      %run_scoped3A = tpu.sem_alloc : memref<!tpu.dma_semaphore, #tpu.memory_space<semaphore_mem>>
      %dma_start3A = arith.constant 0 : i32
      %dma_start3A_40 = tpu.memref_slice %arg9[%add3A_27, %dma_start3A] : memref<10240x128xf32, #tpu.memory_space<vmem_shared>> -> memref<128x128xf32, #tpu.memory_space<vmem_shared>>
      %dma_start3A_41 = arith.constant 0 : i32
      %dma_start3A_42 = tpu.memref_slice %arg9[%add3A_27, %dma_start3A_41] : memref<10240x128xf32, #tpu.memory_space<vmem_shared>> -> memref<128x128xf32, #tpu.memory_space<vmem_shared>>
      tpu.enqueue_dma source(%arg8 : memref<128x128xf32, #tpu.memory_space<vmem>>) target(%dma_start3A_42 : memref<128x128xf32, #tpu.memory_space<vmem_shared>>) target_semaphore(%run_scoped3A : memref<!tpu.dma_semaphore, #tpu.memory_space<semaphore_mem>>)
      %dma_wait3A = arith.constant 0 : i32
      %dma_wait3A_43 = tpu.memref_slice %arg9[%add3A_27, %dma_wait3A] : memref<10240x128xf32, #tpu.memory_space<vmem_shared>> -> memref<128x128xf32, #tpu.memory_space<vmem_shared>>
      %dma_wait3A_44 = arith.constant 0 : i32
      %dma_wait3A_45 = tpu.memref_slice %arg9[%add3A_27, %dma_wait3A_44] : memref<10240x128xf32, #tpu.memory_space<vmem_shared>> -> memref<128x128xf32, #tpu.memory_space<vmem_shared>>
      tpu.wait_dma2 semaphore(%run_scoped3A : memref<!tpu.dma_semaphore, #tpu.memory_space<semaphore_mem>>) src(%arg8 : memref<128x128xf32, #tpu.memory_space<vmem>>) dst(%dma_wait3A_45 : memref<128x128xf32, #tpu.memory_space<vmem_shared>>)
      tpu.yield
    }) : () -> ()
    %barrier3A = arith.constant 0 : index
    tpu.barrier barrier_id(%barrier3A)
    %scan3A_28 = arith.constant 0 : i32
    %scan3A_29 = arith.constant 0 : i32
    %scan3A_30 = arith.constant 80 : i32
    %scan3A_31 = arith.addi %scan3A_29, %scan3A_30 : i32
    %scan3A_32 = arith.constant 1 : i32
    %scan3A_33 = scf.for %scan3A_40 = %scan3A_29 to %scan3A_31 step %scan3A_32 iter_args(%scan3A_41 = %scan3A_28) -> (i32)  : i32 {
      %dma_start3A = arith.constant 0 : i32
      %dma_start3A_42 = tpu.memref_slice %arg6[%scan3A_40, %dma_start3A] : memref<80x128xi32, #tpu.memory_space<vmem>> -> memref<1x128xi32, #tpu.memory_space<vmem>>
      %dma_start3A_43 = tpu.memref_squeeze %dma_start3A_42 : memref<1x128xi32, #tpu.memory_space<vmem>> -> memref<128xi32, #tpu.memory_space<vmem>>
      %dma_start3A_44 = arith.constant 0 : i32
      %dma_start3A_45 = arith.constant 0 : i32
      %dma_start3A_46 = tpu.memref_slice %arg2[%dma_start3A_44, %dma_start3A_45] : memref<10240x128xf32, #tpu.memory_space<hbm>> -> memref<10240x128xf32, #tpu.memory_space<hbm>>
      tpu.enqueue_indirect_dma source(%dma_start3A_46 : memref<10240x128xf32, #tpu.memory_space<hbm>>) target(%arg8 : memref<128x128xf32, #tpu.memory_space<vmem>>) offsets(%dma_start3A_43 : memref<128xi32, #tpu.memory_space<vmem>>) semaphore(%arg10 : memref<!tpu.dma_semaphore, #tpu.memory_space<semaphore_mem>>)
      %dma_wait3A = arith.constant 0 : i32
      %dma_wait3A_47 = tpu.memref_slice %arg6[%scan3A_40, %dma_wait3A] : memref<80x128xi32, #tpu.memory_space<vmem>> -> memref<1x128xi32, #tpu.memory_space<vmem>>
      %dma_wait3A_48 = tpu.memref_squeeze %dma_wait3A_47 : memref<1x128xi32, #tpu.memory_space<vmem>> -> memref<128xi32, #tpu.memory_space<vmem>>
      %dma_wait3A_49 = arith.constant 0 : i32
      %dma_wait3A_50 = arith.constant 0 : i32
      %dma_wait3A_51 = tpu.memref_slice %arg2[%dma_wait3A_49, %dma_wait3A_50] : memref<10240x128xf32, #tpu.memory_space<hbm>> -> memref<10240x128xf32, #tpu.memory_space<hbm>>
      tpu.wait_indirect_dma semaphore(%arg10 : memref<!tpu.dma_semaphore, #tpu.memory_space<semaphore_mem>>) src(%dma_wait3A_51 : memref<10240x128xf32, #tpu.memory_space<hbm>>) dst(%arg8 : memref<128x128xf32, #tpu.memory_space<vmem>>)
      "tpu.region"() ({
        %run_scoped3A = tpu.sem_alloc : memref<!tpu.dma_semaphore, #tpu.memory_space<semaphore_mem>>
        %dma_start3A_53 = arith.constant 0 : i32
        %dma_start3A_54 = tpu.memref_slice %arg7[%scan3A_40, %dma_start3A_53] : memref<80x128xi32, #tpu.memory_space<vmem>> -> memref<1x128xi32, #tpu.memory_space<vmem>>
        %dma_start3A_55 = tpu.memref_squeeze %dma_start3A_54 : memref<1x128xi32, #tpu.memory_space<vmem>> -> memref<128xi32, #tpu.memory_space<vmem>>
        %dma_start3A_56 = arith.constant 0 : i32
        %dma_start3A_57 = arith.constant 0 : i32
        %dma_start3A_58 = tpu.memref_slice %arg9[%dma_start3A_56, %dma_start3A_57] : memref<10240x128xf32, #tpu.memory_space<vmem_shared>> -> memref<10240x128xf32, #tpu.memory_space<vmem_shared>>
        tpu.enqueue_indirect_dma source(%arg8 : memref<128x128xf32, #tpu.memory_space<vmem>>) target(%dma_start3A_58 : memref<10240x128xf32, #tpu.memory_space<vmem_shared>>) offsets(%dma_start3A_55 : memref<128xi32, #tpu.memory_space<vmem>>) semaphore(%run_scoped3A : memref<!tpu.dma_semaphore, #tpu.memory_space<semaphore_mem>>) {add = true}
        %dma_wait3A_59 = arith.constant 0 : i32
        %dma_wait3A_60 = tpu.memref_slice %arg7[%scan3A_40, %dma_wait3A_59] : memref<80x128xi32, #tpu.memory_space<vmem>> -> memref<1x128xi32, #tpu.memory_space<vmem>>
        %dma_wait3A_61 = tpu.memref_squeeze %dma_wait3A_60 : memref<1x128xi32, #tpu.memory_space<vmem>> -> memref<128xi32, #tpu.memory_space<vmem>>
        %dma_wait3A_62 = arith.constant 0 : i32
        %dma_wait3A_63 = arith.constant 0 : i32
        %dma_wait3A_64 = tpu.memref_slice %arg9[%dma_wait3A_62, %dma_wait3A_63] : memref<10240x128xf32, #tpu.memory_space<vmem_shared>> -> memref<10240x128xf32, #tpu.memory_space<vmem_shared>>
        tpu.wait_indirect_dma semaphore(%run_scoped3A : memref<!tpu.dma_semaphore, #tpu.memory_space<semaphore_mem>>) src(%arg8 : memref<128x128xf32, #tpu.memory_space<vmem>>) dst(%dma_wait3A_64 : memref<10240x128xf32, #tpu.memory_space<vmem_shared>>)
        tpu.yield
      }) : () -> ()
      %scan3A_52 = arith.constant 0 : i32
      scf.yield %scan3A_52 : i32
    }
    %scan3A_34 = arith.constant 80 : i32
    %barrier3A_35 = arith.constant 0 : index
    tpu.barrier barrier_id(%barrier3A_35)
    %mul3A_36 = arith.constant 640 : i32
    %mul3A_37 = arith.muli %arg1, %mul3A_36 : i32
    %mul3A_38 = arith.constant 640 : i32
    %mul3A_39 = arith.muli %arg1, %mul3A_38 : i32
    "tpu.region"() ({
      %run_scoped3A = tpu.sem_alloc : memref<!tpu.dma_semaphore, #tpu.memory_space<semaphore_mem>>
      %dma_start3A = arith.constant 0 : i32
      %dma_start3A_40 = tpu.memref_slice %arg5[%arg0, %mul3A_39, %dma_start3A] : memref<2x10240x128xf32, #tpu.memory_space<hbm>> -> memref<1x640x128xf32, #tpu.memory_space<hbm>>
      %dma_start3A_41 = tpu.memref_squeeze %dma_start3A_40 : memref<1x640x128xf32, #tpu.memory_space<hbm>> -> memref<640x128xf32, #tpu.memory_space<hbm>>
      %dma_start3A_42 = arith.constant 0 : i32
      %dma_start3A_43 = tpu.memref_slice %arg9[%mul3A_37, %dma_start3A_42] : memref<10240x128xf32, #tpu.memory_space<vmem_shared>> -> memref<640x128xf32, #tpu.memory_space<vmem_shared>>
      tpu.enqueue_dma source(%dma_start3A_43 : memref<640x128xf32, #tpu.memory_space<vmem_shared>>) target(%dma_start3A_41 : memref<640x128xf32, #tpu.memory_space<hbm>>) target_semaphore(%run_scoped3A : memref<!tpu.dma_semaphore, #tpu.memory_space<semaphore_mem>>)
      %dma_wait3A = arith.constant 0 : i32
      %dma_wait3A_44 = tpu.memref_slice %arg5[%arg0, %mul3A_39, %dma_wait3A] : memref<2x10240x128xf32, #tpu.memory_space<hbm>> -> memref<1x640x128xf32, #tpu.memory_space<hbm>>
      %dma_wait3A_45 = tpu.memref_squeeze %dma_wait3A_44 : memref<1x640x128xf32, #tpu.memory_space<hbm>> -> memref<640x128xf32, #tpu.memory_space<hbm>>
      %dma_wait3A_46 = arith.constant 0 : i32
      %dma_wait3A_47 = tpu.memref_slice %arg9[%mul3A_37, %dma_wait3A_46] : memref<10240x128xf32, #tpu.memory_space<vmem_shared>> -> memref<640x128xf32, #tpu.memory_space<vmem_shared>>
      tpu.wait_dma2 semaphore(%run_scoped3A : memref<!tpu.dma_semaphore, #tpu.memory_space<semaphore_mem>>) src(%dma_wait3A_47 : memref<640x128xf32, #tpu.memory_space<vmem_shared>>) dst(%dma_wait3A_45 : memref<640x128xf32, #tpu.memory_space<hbm>>)
      tpu.yield
    }) : () -> ()
    return
  }
}

#map = affine_map<(d0, d1) -> (0, 0)>
#map1 = affine_map<(d0, d1) -> (0, 0, 0)>
module attributes {stable_mosaic.version = 14 : i64} {
  func.func @scat_kernel(%arg0: i32, %arg1: i32, %arg2: memref<10240x128xf32, #tpu.memory_space<hbm>>, %arg3: memref<32x80x128xi32, #tpu.memory_space<hbm>>, %arg4: memref<32x80x128xi32, #tpu.memory_space<hbm>>, %arg5: memref<2x10240x128xf32, #tpu.memory_space<hbm>>, %arg6: memref<80x128xi32, #tpu.memory_space<vmem>>, %arg7: memref<80x128xi32, #tpu.memory_space<vmem>>, %arg8: memref<128x128xf32, #tpu.memory_space<vmem>>, %arg9: memref<10240x128xf32, #tpu.memory_space<vmem_shared>>, %arg10: memref<!tpu.dma_semaphore, #tpu.memory_space<semaphore_mem>>) attributes {dimension_semantics = [#tpu.dimension_semantics<core_parallel>, #tpu.dimension_semantics<subcore_parallel>], iteration_bounds = array<i64: 2, 16>, scalar_prefetch = 0 : i64, scratch_operands = 5 : i64, tpu.core_type = #tpu.core_type<sc_vector_subcore>, window_params = [{transform_indices = #map}, {transform_indices = #map1}, {transform_indices = #map1}, {transform_indices = #map1}]} {
    %mul3A = arith.constant 16 : i32
    %mul3A_0 = arith.muli %arg0, %mul3A : i32
    %add3A = arith.addi %mul3A_0, %arg1 : i32
    "tpu.region"() ({
      %run_scoped3A = tpu.sem_alloc : memref<!tpu.dma_semaphore, #tpu.memory_space<semaphore_mem>>
      %dma_start3A = arith.constant 0 : i32
      %dma_start3A_40 = arith.constant 0 : i32
      %dma_start3A_41 = tpu.memref_slice %arg3[%add3A, %dma_start3A, %dma_start3A_40] : memref<32x80x128xi32, #tpu.memory_space<hbm>> -> memref<1x80x128xi32, #tpu.memory_space<hbm>>
      %dma_start3A_42 = tpu.memref_squeeze %dma_start3A_41 : memref<1x80x128xi32, #tpu.memory_space<hbm>> -> memref<80x128xi32, #tpu.memory_space<hbm>>
      %dma_start3A_43 = arith.constant 0 : i32
      %dma_start3A_44 = arith.constant 0 : i32
      %dma_start3A_45 = tpu.memref_slice %arg3[%add3A, %dma_start3A_43, %dma_start3A_44] : memref<32x80x128xi32, #tpu.memory_space<hbm>> -> memref<1x80x128xi32, #tpu.memory_space<hbm>>
      %dma_start3A_46 = tpu.memref_squeeze %dma_start3A_45 : memref<1x80x128xi32, #tpu.memory_space<hbm>> -> memref<80x128xi32, #tpu.memory_space<hbm>>
      tpu.enqueue_dma source(%dma_start3A_46 : memref<80x128xi32, #tpu.memory_space<hbm>>) target(%arg6 : memref<80x128xi32, #tpu.memory_space<vmem>>) target_semaphore(%run_scoped3A : memref<!tpu.dma_semaphore, #tpu.memory_space<semaphore_mem>>)
      %dma_wait3A = arith.constant 0 : i32
      %dma_wait3A_47 = arith.constant 0 : i32
      %dma_wait3A_48 = tpu.memref_slice %arg3[%add3A, %dma_wait3A, %dma_wait3A_47] : memref<32x80x128xi32, #tpu.memory_space<hbm>> -> memref<1x80x128xi32, #tpu.memory_space<hbm>>
      %dma_wait3A_49 = tpu.memref_squeeze %dma_wait3A_48 : memref<1x80x128xi32, #tpu.memory_space<hbm>> -> memref<80x128xi32, #tpu.memory_space<hbm>>
      %dma_wait3A_50 = arith.constant 0 : i32
      %dma_wait3A_51 = arith.constant 0 : i32
      %dma_wait3A_52 = tpu.memref_slice %arg3[%add3A, %dma_wait3A_50, %dma_wait3A_51] : memref<32x80x128xi32, #tpu.memory_space<hbm>> -> memref<1x80x128xi32, #tpu.memory_space<hbm>>
      %dma_wait3A_53 = tpu.memref_squeeze %dma_wait3A_52 : memref<1x80x128xi32, #tpu.memory_space<hbm>> -> memref<80x128xi32, #tpu.memory_space<hbm>>
      tpu.wait_dma2 semaphore(%run_scoped3A : memref<!tpu.dma_semaphore, #tpu.memory_space<semaphore_mem>>) src(%dma_wait3A_53 : memref<80x128xi32, #tpu.memory_space<hbm>>) dst(%arg6 : memref<80x128xi32, #tpu.memory_space<vmem>>)
      tpu.yield
    }) : () -> ()
    "tpu.region"() ({
      %run_scoped3A = tpu.sem_alloc : memref<!tpu.dma_semaphore, #tpu.memory_space<semaphore_mem>>
      %dma_start3A = arith.constant 0 : i32
      %dma_start3A_40 = arith.constant 0 : i32
      %dma_start3A_41 = tpu.memref_slice %arg4[%add3A, %dma_start3A, %dma_start3A_40] : memref<32x80x128xi32, #tpu.memory_space<hbm>> -> memref<1x80x128xi32, #tpu.memory_space<hbm>>
      %dma_start3A_42 = tpu.memref_squeeze %dma_start3A_41 : memref<1x80x128xi32, #tpu.memory_space<hbm>> -> memref<80x128xi32, #tpu.memory_space<hbm>>
      %dma_start3A_43 = arith.constant 0 : i32
      %dma_start3A_44 = arith.constant 0 : i32
      %dma_start3A_45 = tpu.memref_slice %arg4[%add3A, %dma_start3A_43, %dma_start3A_44] : memref<32x80x128xi32, #tpu.memory_space<hbm>> -> memref<1x80x128xi32, #tpu.memory_space<hbm>>
      %dma_start3A_46 = tpu.memref_squeeze %dma_start3A_45 : memref<1x80x128xi32, #tpu.memory_space<hbm>> -> memref<80x128xi32, #tpu.memory_space<hbm>>
      tpu.enqueue_dma source(%dma_start3A_46 : memref<80x128xi32, #tpu.memory_space<hbm>>) target(%arg7 : memref<80x128xi32, #tpu.memory_space<vmem>>) target_semaphore(%run_scoped3A : memref<!tpu.dma_semaphore, #tpu.memory_space<semaphore_mem>>)
      %dma_wait3A = arith.constant 0 : i32
      %dma_wait3A_47 = arith.constant 0 : i32
      %dma_wait3A_48 = tpu.memref_slice %arg4[%add3A, %dma_wait3A, %dma_wait3A_47] : memref<32x80x128xi32, #tpu.memory_space<hbm>> -> memref<1x80x128xi32, #tpu.memory_space<hbm>>
      %dma_wait3A_49 = tpu.memref_squeeze %dma_wait3A_48 : memref<1x80x128xi32, #tpu.memory_space<hbm>> -> memref<80x128xi32, #tpu.memory_space<hbm>>
      %dma_wait3A_50 = arith.constant 0 : i32
      %dma_wait3A_51 = arith.constant 0 : i32
      %dma_wait3A_52 = tpu.memref_slice %arg4[%add3A, %dma_wait3A_50, %dma_wait3A_51] : memref<32x80x128xi32, #tpu.memory_space<hbm>> -> memref<1x80x128xi32, #tpu.memory_space<hbm>>
      %dma_wait3A_53 = tpu.memref_squeeze %dma_wait3A_52 : memref<1x80x128xi32, #tpu.memory_space<hbm>> -> memref<80x128xi32, #tpu.memory_space<hbm>>
      tpu.wait_dma2 semaphore(%run_scoped3A : memref<!tpu.dma_semaphore, #tpu.memory_space<semaphore_mem>>) src(%dma_wait3A_53 : memref<80x128xi32, #tpu.memory_space<hbm>>) dst(%arg7 : memref<80x128xi32, #tpu.memory_space<vmem>>)
      tpu.yield
    }) : () -> ()
    %broadcast_in_dim3A = arith.constant 0.000000e+00 : f32
    %broadcast_in_dim3A_1 = vector.broadcast %broadcast_in_dim3A : f32 to vector<16xf32>
    %scan3A = arith.constant 0 : i32
    %scan3A_2 = arith.constant 0 : i32
    %scan3A_3 = arith.constant 128 : i32
    %scan3A_4 = arith.addi %scan3A_2, %scan3A_3 : i32
    %scan3A_5 = arith.constant 1 : i32
    %scan3A_6 = scf.for %scan3A_40 = %scan3A_2 to %scan3A_4 step %scan3A_5 iter_args(%scan3A_41 = %scan3A) -> (i32)  : i32 {
      %swap3A = arith.index_cast %scan3A_40 : i32 to index
      %swap3A_42 = arith.constant 0 : index
      %swap3A_43 = tpu.vector_load %arg8[%swap3A, %swap3A_42] {strides = array<i32>} : memref<128x128xf32, #tpu.memory_space<vmem>>, vector<1x16xf32>,
      %swap3A_44 = vector.shape_cast %swap3A_43 : vector<1x16xf32> to vector<16xf32>
      %swap3A_45 = vector.shape_cast %broadcast_in_dim3A_1 : vector<16xf32> to vector<1x16xf32>
      tpu.vector_store %arg8[%swap3A, %swap3A_42], %swap3A_45 {strides = array<i32>} : memref<128x128xf32, #tpu.memory_space<vmem>>, vector<1x16xf32>,
      %swap3A_46 = arith.index_cast %scan3A_40 : i32 to index
      %swap3A_47 = arith.constant 16 : index
      %swap3A_48 = tpu.vector_load %arg8[%swap3A_46, %swap3A_47] {strides = array<i32>} : memref<128x128xf32, #tpu.memory_space<vmem>>, vector<1x16xf32>,
      %swap3A_49 = vector.shape_cast %swap3A_48 : vector<1x16xf32> to vector<16xf32>
      %swap3A_50 = vector.shape_cast %broadcast_in_dim3A_1 : vector<16xf32> to vector<1x16xf32>
      tpu.vector_store %arg8[%swap3A_46, %swap3A_47], %swap3A_50 {strides = array<i32>} : memref<128x128xf32, #tpu.memory_space<vmem>>, vector<1x16xf32>,
      %swap3A_51 = arith.index_cast %scan3A_40 : i32 to index
      %swap3A_52 = arith.constant 32 : index
      %swap3A_53 = tpu.vector_load %arg8[%swap3A_51, %swap3A_52] {strides = array<i32>} : memref<128x128xf32, #tpu.memory_space<vmem>>, vector<1x16xf32>,
      %swap3A_54 = vector.shape_cast %swap3A_53 : vector<1x16xf32> to vector<16xf32>
      %swap3A_55 = vector.shape_cast %broadcast_in_dim3A_1 : vector<16xf32> to vector<1x16xf32>
      tpu.vector_store %arg8[%swap3A_51, %swap3A_52], %swap3A_55 {strides = array<i32>} : memref<128x128xf32, #tpu.memory_space<vmem>>, vector<1x16xf32>,
      %swap3A_56 = arith.index_cast %scan3A_40 : i32 to index
      %swap3A_57 = arith.constant 48 : index
      %swap3A_58 = tpu.vector_load %arg8[%swap3A_56, %swap3A_57] {strides = array<i32>} : memref<128x128xf32, #tpu.memory_space<vmem>>, vector<1x16xf32>,
      %swap3A_59 = vector.shape_cast %swap3A_58 : vector<1x16xf32> to vector<16xf32>
      %swap3A_60 = vector.shape_cast %broadcast_in_dim3A_1 : vector<16xf32> to vector<1x16xf32>
      tpu.vector_store %arg8[%swap3A_56, %swap3A_57], %swap3A_60 {strides = array<i32>} : memref<128x128xf32, #tpu.memory_space<vmem>>, vector<1x16xf32>,
      %swap3A_61 = arith.index_cast %scan3A_40 : i32 to index
      %swap3A_62 = arith.constant 64 : index
      %swap3A_63 = tpu.vector_load %arg8[%swap3A_61, %swap3A_62] {strides = array<i32>} : memref<128x128xf32, #tpu.memory_space<vmem>>, vector<1x16xf32>,
      %swap3A_64 = vector.shape_cast %swap3A_63 : vector<1x16xf32> to vector<16xf32>
      %swap3A_65 = vector.shape_cast %broadcast_in_dim3A_1 : vector<16xf32> to vector<1x16xf32>
      tpu.vector_store %arg8[%swap3A_61, %swap3A_62], %swap3A_65 {strides = array<i32>} : memref<128x128xf32, #tpu.memory_space<vmem>>, vector<1x16xf32>,
      %swap3A_66 = arith.index_cast %scan3A_40 : i32 to index
      %swap3A_67 = arith.constant 80 : index
      %swap3A_68 = tpu.vector_load %arg8[%swap3A_66, %swap3A_67] {strides = array<i32>} : memref<128x128xf32, #tpu.memory_space<vmem>>, vector<1x16xf32>,
      %swap3A_69 = vector.shape_cast %swap3A_68 : vector<1x16xf32> to vector<16xf32>
      %swap3A_70 = vector.shape_cast %broadcast_in_dim3A_1 : vector<16xf32> to vector<1x16xf32>
      tpu.vector_store %arg8[%swap3A_66, %swap3A_67], %swap3A_70 {strides = array<i32>} : memref<128x128xf32, #tpu.memory_space<vmem>>, vector<1x16xf32>,
      %swap3A_71 = arith.index_cast %scan3A_40 : i32 to index
      %swap3A_72 = arith.constant 96 : index
      %swap3A_73 = tpu.vector_load %arg8[%swap3A_71, %swap3A_72] {strides = array<i32>} : memref<128x128xf32, #tpu.memory_space<vmem>>, vector<1x16xf32>,
      %swap3A_74 = vector.shape_cast %swap3A_73 : vector<1x16xf32> to vector<16xf32>
      %swap3A_75 = vector.shape_cast %broadcast_in_dim3A_1 : vector<16xf32> to vector<1x16xf32>
      tpu.vector_store %arg8[%swap3A_71, %swap3A_72], %swap3A_75 {strides = array<i32>} : memref<128x128xf32, #tpu.memory_space<vmem>>, vector<1x16xf32>,
      %swap3A_76 = arith.index_cast %scan3A_40 : i32 to index
      %swap3A_77 = arith.constant 112 : index
      %swap3A_78 = tpu.vector_load %arg8[%swap3A_76, %swap3A_77] {strides = array<i32>} : memref<128x128xf32, #tpu.memory_space<vmem>>, vector<1x16xf32>,
      %swap3A_79 = vector.shape_cast %swap3A_78 : vector<1x16xf32> to vector<16xf32>
      %swap3A_80 = vector.shape_cast %broadcast_in_dim3A_1 : vector<16xf32> to vector<1x16xf32>
      tpu.vector_store %arg8[%swap3A_76, %swap3A_77], %swap3A_80 {strides = array<i32>} : memref<128x128xf32, #tpu.memory_space<vmem>>, vector<1x16xf32>,
      %scan3A_81 = arith.constant 0 : i32
      scf.yield %scan3A_81 : i32
    }
    %scan3A_7 = arith.constant 128 : i32
    %mul3A_8 = arith.constant 640 : i32
    %mul3A_9 = arith.muli %arg1, %mul3A_8 : i32
    %add3A_10 = arith.constant 0 : i32
    %add3A_11 = arith.addi %mul3A_9, %add3A_10 : i32
    "tpu.region"() ({
      %run_scoped3A = tpu.sem_alloc : memref<!tpu.dma_semaphore, #tpu.memory_space<semaphore_mem>>
      %dma_start3A = arith.constant 0 : i32
      %dma_start3A_40 = tpu.memref_slice %arg9[%add3A_11, %dma_start3A] : memref<10240x128xf32, #tpu.memory_space<vmem_shared>> -> memref<128x128xf32, #tpu.memory_space<vmem_shared>>
      %dma_start3A_41 = arith.constant 0 : i32
      %dma_start3A_42 = tpu.memref_slice %arg9[%add3A_11, %dma_start3A_41] : memref<10240x128xf32, #tpu.memory_space<vmem_shared>> -> memref<128x128xf32, #tpu.memory_space<vmem_shared>>
      tpu.enqueue_dma source(%arg8 : memref<128x128xf32, #tpu.memory_space<vmem>>) target(%dma_start3A_42 : memref<128x128xf32, #tpu.memory_space<vmem_shared>>) target_semaphore(%run_scoped3A : memref<!tpu.dma_semaphore, #tpu.memory_space<semaphore_mem>>)
      %dma_wait3A = arith.constant 0 : i32
      %dma_wait3A_43 = tpu.memref_slice %arg9[%add3A_11, %dma_wait3A] : memref<10240x128xf32, #tpu.memory_space<vmem_shared>> -> memref<128x128xf32, #tpu.memory_space<vmem_shared>>
      %dma_wait3A_44 = arith.constant 0 : i32
      %dma_wait3A_45 = tpu.memref_slice %arg9[%add3A_11, %dma_wait3A_44] : memref<10240x128xf32, #tpu.memory_space<vmem_shared>> -> memref<128x128xf32, #tpu.memory_space<vmem_shared>>
      tpu.wait_dma2 semaphore(%run_scoped3A : memref<!tpu.dma_semaphore, #tpu.memory_space<semaphore_mem>>) src(%arg8 : memref<128x128xf32, #tpu.memory_space<vmem>>) dst(%dma_wait3A_45 : memref<128x128xf32, #tpu.memory_space<vmem_shared>>)
      tpu.yield
    }) : () -> ()
    %mul3A_12 = arith.constant 640 : i32
    %mul3A_13 = arith.muli %arg1, %mul3A_12 : i32
    %add3A_14 = arith.constant 128 : i32
    %add3A_15 = arith.addi %mul3A_13, %add3A_14 : i32
    "tpu.region"() ({
      %run_scoped3A = tpu.sem_alloc : memref<!tpu.dma_semaphore, #tpu.memory_space<semaphore_mem>>
      %dma_start3A = arith.constant 0 : i32
      %dma_start3A_40 = tpu.memref_slice %arg9[%add3A_15, %dma_start3A] : memref<10240x128xf32, #tpu.memory_space<vmem_shared>> -> memref<128x128xf32, #tpu.memory_space<vmem_shared>>
      %dma_start3A_41 = arith.constant 0 : i32
      %dma_start3A_42 = tpu.memref_slice %arg9[%add3A_15, %dma_start3A_41] : memref<10240x128xf32, #tpu.memory_space<vmem_shared>> -> memref<128x128xf32, #tpu.memory_space<vmem_shared>>
      tpu.enqueue_dma source(%arg8 : memref<128x128xf32, #tpu.memory_space<vmem>>) target(%dma_start3A_42 : memref<128x128xf32, #tpu.memory_space<vmem_shared>>) target_semaphore(%run_scoped3A : memref<!tpu.dma_semaphore, #tpu.memory_space<semaphore_mem>>)
      %dma_wait3A = arith.constant 0 : i32
      %dma_wait3A_43 = tpu.memref_slice %arg9[%add3A_15, %dma_wait3A] : memref<10240x128xf32, #tpu.memory_space<vmem_shared>> -> memref<128x128xf32, #tpu.memory_space<vmem_shared>>
      %dma_wait3A_44 = arith.constant 0 : i32
      %dma_wait3A_45 = tpu.memref_slice %arg9[%add3A_15, %dma_wait3A_44] : memref<10240x128xf32, #tpu.memory_space<vmem_shared>> -> memref<128x128xf32, #tpu.memory_space<vmem_shared>>
      tpu.wait_dma2 semaphore(%run_scoped3A : memref<!tpu.dma_semaphore, #tpu.memory_space<semaphore_mem>>) src(%arg8 : memref<128x128xf32, #tpu.memory_space<vmem>>) dst(%dma_wait3A_45 : memref<128x128xf32, #tpu.memory_space<vmem_shared>>)
      tpu.yield
    }) : () -> ()
    %mul3A_16 = arith.constant 640 : i32
    %mul3A_17 = arith.muli %arg1, %mul3A_16 : i32
    %add3A_18 = arith.constant 256 : i32
    %add3A_19 = arith.addi %mul3A_17, %add3A_18 : i32
    "tpu.region"() ({
      %run_scoped3A = tpu.sem_alloc : memref<!tpu.dma_semaphore, #tpu.memory_space<semaphore_mem>>
      %dma_start3A = arith.constant 0 : i32
      %dma_start3A_40 = tpu.memref_slice %arg9[%add3A_19, %dma_start3A] : memref<10240x128xf32, #tpu.memory_space<vmem_shared>> -> memref<128x128xf32, #tpu.memory_space<vmem_shared>>
      %dma_start3A_41 = arith.constant 0 : i32
      %dma_start3A_42 = tpu.memref_slice %arg9[%add3A_19, %dma_start3A_41] : memref<10240x128xf32, #tpu.memory_space<vmem_shared>> -> memref<128x128xf32, #tpu.memory_space<vmem_shared>>
      tpu.enqueue_dma source(%arg8 : memref<128x128xf32, #tpu.memory_space<vmem>>) target(%dma_start3A_42 : memref<128x128xf32, #tpu.memory_space<vmem_shared>>) target_semaphore(%run_scoped3A : memref<!tpu.dma_semaphore, #tpu.memory_space<semaphore_mem>>)
      %dma_wait3A = arith.constant 0 : i32
      %dma_wait3A_43 = tpu.memref_slice %arg9[%add3A_19, %dma_wait3A] : memref<10240x128xf32, #tpu.memory_space<vmem_shared>> -> memref<128x128xf32, #tpu.memory_space<vmem_shared>>
      %dma_wait3A_44 = arith.constant 0 : i32
      %dma_wait3A_45 = tpu.memref_slice %arg9[%add3A_19, %dma_wait3A_44] : memref<10240x128xf32, #tpu.memory_space<vmem_shared>> -> memref<128x128xf32, #tpu.memory_space<vmem_shared>>
      tpu.wait_dma2 semaphore(%run_scoped3A : memref<!tpu.dma_semaphore, #tpu.memory_space<semaphore_mem>>) src(%arg8 : memref<128x128xf32, #tpu.memory_space<vmem>>) dst(%dma_wait3A_45 : memref<128x128xf32, #tpu.memory_space<vmem_shared>>)
      tpu.yield
    }) : () -> ()
    %mul3A_20 = arith.constant 640 : i32
    %mul3A_21 = arith.muli %arg1, %mul3A_20 : i32
    %add3A_22 = arith.constant 384 : i32
    %add3A_23 = arith.addi %mul3A_21, %add3A_22 : i32
    "tpu.region"() ({
      %run_scoped3A = tpu.sem_alloc : memref<!tpu.dma_semaphore, #tpu.memory_space<semaphore_mem>>
      %dma_start3A = arith.constant 0 : i32
      %dma_start3A_40 = tpu.memref_slice %arg9[%add3A_23, %dma_start3A] : memref<10240x128xf32, #tpu.memory_space<vmem_shared>> -> memref<128x128xf32, #tpu.memory_space<vmem_shared>>
      %dma_start3A_41 = arith.constant 0 : i32
      %dma_start3A_42 = tpu.memref_slice %arg9[%add3A_23, %dma_start3A_41] : memref<10240x128xf32, #tpu.memory_space<vmem_shared>> -> memref<128x128xf32, #tpu.memory_space<vmem_shared>>
      tpu.enqueue_dma source(%arg8 : memref<128x128xf32, #tpu.memory_space<vmem>>) target(%dma_start3A_42 : memref<128x128xf32, #tpu.memory_space<vmem_shared>>) target_semaphore(%run_scoped3A : memref<!tpu.dma_semaphore, #tpu.memory_space<semaphore_mem>>)
      %dma_wait3A = arith.constant 0 : i32
      %dma_wait3A_43 = tpu.memref_slice %arg9[%add3A_23, %dma_wait3A] : memref<10240x128xf32, #tpu.memory_space<vmem_shared>> -> memref<128x128xf32, #tpu.memory_space<vmem_shared>>
      %dma_wait3A_44 = arith.constant 0 : i32
      %dma_wait3A_45 = tpu.memref_slice %arg9[%add3A_23, %dma_wait3A_44] : memref<10240x128xf32, #tpu.memory_space<vmem_shared>> -> memref<128x128xf32, #tpu.memory_space<vmem_shared>>
      tpu.wait_dma2 semaphore(%run_scoped3A : memref<!tpu.dma_semaphore, #tpu.memory_space<semaphore_mem>>) src(%arg8 : memref<128x128xf32, #tpu.memory_space<vmem>>) dst(%dma_wait3A_45 : memref<128x128xf32, #tpu.memory_space<vmem_shared>>)
      tpu.yield
    }) : () -> ()
    %mul3A_24 = arith.constant 640 : i32
    %mul3A_25 = arith.muli %arg1, %mul3A_24 : i32
    %add3A_26 = arith.constant 512 : i32
    %add3A_27 = arith.addi %mul3A_25, %add3A_26 : i32
    "tpu.region"() ({
      %run_scoped3A = tpu.sem_alloc : memref<!tpu.dma_semaphore, #tpu.memory_space<semaphore_mem>>
      %dma_start3A = arith.constant 0 : i32
      %dma_start3A_40 = tpu.memref_slice %arg9[%add3A_27, %dma_start3A] : memref<10240x128xf32, #tpu.memory_space<vmem_shared>> -> memref<128x128xf32, #tpu.memory_space<vmem_shared>>
      %dma_start3A_41 = arith.constant 0 : i32
      %dma_start3A_42 = tpu.memref_slice %arg9[%add3A_27, %dma_start3A_41] : memref<10240x128xf32, #tpu.memory_space<vmem_shared>> -> memref<128x128xf32, #tpu.memory_space<vmem_shared>>
      tpu.enqueue_dma source(%arg8 : memref<128x128xf32, #tpu.memory_space<vmem>>) target(%dma_start3A_42 : memref<128x128xf32, #tpu.memory_space<vmem_shared>>) target_semaphore(%run_scoped3A : memref<!tpu.dma_semaphore, #tpu.memory_space<semaphore_mem>>)
      %dma_wait3A = arith.constant 0 : i32
      %dma_wait3A_43 = tpu.memref_slice %arg9[%add3A_27, %dma_wait3A] : memref<10240x128xf32, #tpu.memory_space<vmem_shared>> -> memref<128x128xf32, #tpu.memory_space<vmem_shared>>
      %dma_wait3A_44 = arith.constant 0 : i32
      %dma_wait3A_45 = tpu.memref_slice %arg9[%add3A_27, %dma_wait3A_44] : memref<10240x128xf32, #tpu.memory_space<vmem_shared>> -> memref<128x128xf32, #tpu.memory_space<vmem_shared>>
      tpu.wait_dma2 semaphore(%run_scoped3A : memref<!tpu.dma_semaphore, #tpu.memory_space<semaphore_mem>>) src(%arg8 : memref<128x128xf32, #tpu.memory_space<vmem>>) dst(%dma_wait3A_45 : memref<128x128xf32, #tpu.memory_space<vmem_shared>>)
      tpu.yield
    }) : () -> ()
    %barrier3A = arith.constant 0 : index
    tpu.barrier barrier_id(%barrier3A)
    %scan3A_28 = arith.constant 0 : i32
    %scan3A_29 = arith.constant 0 : i32
    %scan3A_30 = arith.constant 80 : i32
    %scan3A_31 = arith.addi %scan3A_29, %scan3A_30 : i32
    %scan3A_32 = arith.constant 1 : i32
    %scan3A_33 = scf.for %scan3A_40 = %scan3A_29 to %scan3A_31 step %scan3A_32 iter_args(%scan3A_41 = %scan3A_28) -> (i32)  : i32 {
      %dma_start3A = arith.constant 0 : i32
      %dma_start3A_42 = tpu.memref_slice %arg6[%scan3A_40, %dma_start3A] : memref<80x128xi32, #tpu.memory_space<vmem>> -> memref<1x128xi32, #tpu.memory_space<vmem>>
      %dma_start3A_43 = tpu.memref_squeeze %dma_start3A_42 : memref<1x128xi32, #tpu.memory_space<vmem>> -> memref<128xi32, #tpu.memory_space<vmem>>
      %dma_start3A_44 = arith.constant 0 : i32
      %dma_start3A_45 = arith.constant 0 : i32
      %dma_start3A_46 = tpu.memref_slice %arg2[%dma_start3A_44, %dma_start3A_45] : memref<10240x128xf32, #tpu.memory_space<hbm>> -> memref<10240x128xf32, #tpu.memory_space<hbm>>
      tpu.enqueue_indirect_dma source(%dma_start3A_46 : memref<10240x128xf32, #tpu.memory_space<hbm>>) target(%arg8 : memref<128x128xf32, #tpu.memory_space<vmem>>) offsets(%dma_start3A_43 : memref<128xi32, #tpu.memory_space<vmem>>) semaphore(%arg10 : memref<!tpu.dma_semaphore, #tpu.memory_space<semaphore_mem>>)
      %dma_wait3A = arith.constant 0 : i32
      %dma_wait3A_47 = tpu.memref_slice %arg6[%scan3A_40, %dma_wait3A] : memref<80x128xi32, #tpu.memory_space<vmem>> -> memref<1x128xi32, #tpu.memory_space<vmem>>
      %dma_wait3A_48 = tpu.memref_squeeze %dma_wait3A_47 : memref<1x128xi32, #tpu.memory_space<vmem>> -> memref<128xi32, #tpu.memory_space<vmem>>
      %dma_wait3A_49 = arith.constant 0 : i32
      %dma_wait3A_50 = arith.constant 0 : i32
      %dma_wait3A_51 = tpu.memref_slice %arg2[%dma_wait3A_49, %dma_wait3A_50] : memref<10240x128xf32, #tpu.memory_space<hbm>> -> memref<10240x128xf32, #tpu.memory_space<hbm>>
      tpu.wait_indirect_dma semaphore(%arg10 : memref<!tpu.dma_semaphore, #tpu.memory_space<semaphore_mem>>) src(%dma_wait3A_51 : memref<10240x128xf32, #tpu.memory_space<hbm>>) dst(%arg8 : memref<128x128xf32, #tpu.memory_space<vmem>>)
      "tpu.region"() ({
        %run_scoped3A = tpu.sem_alloc : memref<!tpu.dma_semaphore, #tpu.memory_space<semaphore_mem>>
        %dma_start3A_53 = arith.constant 0 : i32
        %dma_start3A_54 = tpu.memref_slice %arg7[%scan3A_40, %dma_start3A_53] : memref<80x128xi32, #tpu.memory_space<vmem>> -> memref<1x128xi32, #tpu.memory_space<vmem>>
        %dma_start3A_55 = tpu.memref_squeeze %dma_start3A_54 : memref<1x128xi32, #tpu.memory_space<vmem>> -> memref<128xi32, #tpu.memory_space<vmem>>
        %dma_start3A_56 = arith.constant 0 : i32
        %dma_start3A_57 = arith.constant 0 : i32
        %dma_start3A_58 = tpu.memref_slice %arg9[%dma_start3A_56, %dma_start3A_57] : memref<10240x128xf32, #tpu.memory_space<vmem_shared>> -> memref<10240x128xf32, #tpu.memory_space<vmem_shared>>
        tpu.enqueue_indirect_dma source(%arg8 : memref<128x128xf32, #tpu.memory_space<vmem>>) target(%dma_start3A_58 : memref<10240x128xf32, #tpu.memory_space<vmem_shared>>) offsets(%dma_start3A_55 : memref<128xi32, #tpu.memory_space<vmem>>) semaphore(%run_scoped3A : memref<!tpu.dma_semaphore, #tpu.memory_space<semaphore_mem>>) {add = true}
        %dma_wait3A_59 = arith.constant 0 : i32
        %dma_wait3A_60 = tpu.memref_slice %arg7[%scan3A_40, %dma_wait3A_59] : memref<80x128xi32, #tpu.memory_space<vmem>> -> memref<1x128xi32, #tpu.memory_space<vmem>>
        %dma_wait3A_61 = tpu.memref_squeeze %dma_wait3A_60 : memref<1x128xi32, #tpu.memory_space<vmem>> -> memref<128xi32, #tpu.memory_space<vmem>>
        %dma_wait3A_62 = arith.constant 0 : i32
        %dma_wait3A_63 = arith.constant 0 : i32
        %dma_wait3A_64 = tpu.memref_slice %arg9[%dma_wait3A_62, %dma_wait3A_63] : memref<10240x128xf32, #tpu.memory_space<vmem_shared>> -> memref<10240x128xf32, #tpu.memory_space<vmem_shared>>
        tpu.wait_indirect_dma semaphore(%run_scoped3A : memref<!tpu.dma_semaphore, #tpu.memory_space<semaphore_mem>>) src(%arg8 : memref<128x128xf32, #tpu.memory_space<vmem>>) dst(%dma_wait3A_64 : memref<10240x128xf32, #tpu.memory_space<vmem_shared>>)
        tpu.yield
      }) : () -> ()
      %scan3A_52 = arith.constant 0 : i32
      scf.yield %scan3A_52 : i32
    }
    %scan3A_34 = arith.constant 80 : i32
    %barrier3A_35 = arith.constant 0 : index
    tpu.barrier barrier_id(%barrier3A_35)
    %mul3A_36 = arith.constant 640 : i32
    %mul3A_37 = arith.muli %arg1, %mul3A_36 : i32
    %mul3A_38 = arith.constant 640 : i32
    %mul3A_39 = arith.muli %arg1, %mul3A_38 : i32
    "tpu.region"() ({
      %run_scoped3A = tpu.sem_alloc : memref<!tpu.dma_semaphore, #tpu.memory_space<semaphore_mem>>
      %dma_start3A = arith.constant 0 : i32
      %dma_start3A_40 = tpu.memref_slice %arg5[%arg0, %mul3A_39, %dma_start3A] : memref<2x10240x128xf32, #tpu.memory_space<hbm>> -> memref<1x640x128xf32, #tpu.memory_space<hbm>>
      %dma_start3A_41 = tpu.memref_squeeze %dma_start3A_40 : memref<1x640x128xf32, #tpu.memory_space<hbm>> -> memref<640x128xf32, #tpu.memory_space<hbm>>
      %dma_start3A_42 = arith.constant 0 : i32
      %dma_start3A_43 = tpu.memref_slice %arg9[%mul3A_37, %dma_start3A_42] : memref<10240x128xf32, #tpu.memory_space<vmem_shared>> -> memref<640x128xf32, #tpu.memory_space<vmem_shared>>
      tpu.enqueue_dma source(%dma_start3A_43 : memref<640x128xf32, #tpu.memory_space<vmem_shared>>) target(%dma_start3A_41 : memref<640x128xf32, #tpu.memory_space<hbm>>) target_semaphore(%run_scoped3A : memref<!tpu.dma_semaphore, #tpu.memory_space<semaphore_mem>>)
      %dma_wait3A = arith.constant 0 : i32
      %dma_wait3A_44 = tpu.memref_slice %arg5[%arg0, %mul3A_39, %dma_wait3A] : memref<2x10240x128xf32, #tpu.memory_space<hbm>> -> memref<1x640x128xf32, #tpu.memory_space<hbm>>
      %dma_wait3A_45 = tpu.memref_squeeze %dma_wait3A_44 : memref<1x640x128xf32, #tpu.memory_space<hbm>> -> memref<640x128xf32, #tpu.memory_space<hbm>>
      %dma_wait3A_46 = arith.constant 0 : i32
      %dma_wait3A_47 = tpu.memref_slice %arg9[%mul3A_37, %dma_wait3A_46] : memref<10240x128xf32, #tpu.memory_space<vmem_shared>> -> memref<640x128xf32, #tpu.memory_space<vmem_shared>>
      tpu.wait_dma2 semaphore(%run_scoped3A : memref<!tpu.dma_semaphore, #tpu.memory_space<semaphore_mem>>) src(%dma_wait3A_47 : memref<640x128xf32, #tpu.memory_space<vmem_shared>>) dst(%dma_wait3A_45 : memref<640x128xf32, #tpu.memory_space<hbm>>)
      tpu.yield
    }) : () -> ()
    return
  }
}

module attributes {stable_mosaic.version = 14 : i64} {
  func.func @_tc1_body(%arg0: i32, %arg1: memref<1024x16xf32, #tpu.memory_space<vmem>>, %arg2: memref<1024x16xf32, #tpu.memory_space<vmem>>, %arg3: memref<1024x128xf32, #tpu.memory_space<vmem>>, %arg4: memref<128x128xf32, #tpu.memory_space<vmem>>, %arg5: memref<1024x128xf32, #tpu.memory_space<vmem>>) attributes {dimension_semantics = [#tpu.dimension_semantics<arbitrary>], iteration_bounds = array<i64: 10>, scalar_prefetch = 0 : i64, scratch_operands = 0 : i64, tpu.core_type = #tpu.core_type<tc>, window_params = [{transform_indices = @transform_0, window_bounds = array<i64: 1024, 16>}, {transform_indices = @transform_1, window_bounds = array<i64: 1024, 16>}, {transform_indices = @transform_2, window_bounds = array<i64: 1024, 128>}, {pipeline_mode = #tpu.pipeline_mode<synchronous>, transform_indices = @transform_3, window_bounds = array<i64: 128, 128>}, {transform_indices = @transform_4, window_bounds = array<i64: 1024, 128>}]} {
    %get3A = arith.constant 0 : index
    %get3A_0 = arith.constant 0 : index
    %get3A_1 = vector.load %arg1[%get3A, %get3A_0] : memref<1024x16xf32, #tpu.memory_space<vmem>>, vector<1024x1xf32>
    %get3A_2 = arith.constant 0 : index
    %get3A_3 = arith.constant 0 : index
    %get3A_4 = vector.load %arg2[%get3A_2, %get3A_3] : memref<1024x16xf32, #tpu.memory_space<vmem>>, vector<1024x1xf32>
    %add3A = arith.addf %get3A_1, %get3A_4 : vector<1024x1xf32>
    %add3A_5 = arith.constant 1.000000e+00 : f32
    %add3A_6 = vector.broadcast %add3A_5 : f32 to vector<1024x1xf32>
    %add3A_7 = arith.addf %add3A, %add3A_6 : vector<1024x1xf32>
    %rsqrt3A = math.rsqrt %add3A_7 : vector<1024x1xf32>
    %get3A_8 = arith.constant 0 : index
    %get3A_9 = arith.constant 0 : index
    %get3A_10 = vector.load %arg3[%get3A_8, %get3A_9] : memref<1024x128xf32, #tpu.memory_space<vmem>>, vector<1024x128xf32>
    %get3A_11 = arith.constant 0 : index
    %get3A_12 = arith.constant 0 : index
    %get3A_13 = vector.load %arg4[%get3A_11, %get3A_12] : memref<128x128xf32, #tpu.memory_space<vmem>>, vector<128x128xf32>
    %dot_general3A = arith.constant dense<0.000000e+00> : vector<1024x128xf32>
    %dot_general3A_14 = tpu.matmul %get3A_10, %get3A_13, %dot_general3A {dimension_numbers = #tpu.dot_dimension_numbers<[1], [0], [0], [1], [0, 0, 1, 1], [], []>, transpose_lhs_hint = false} : vector<1024x128xf32>, vector<128x128xf32>, vector<1024x128xf32> -> vector<1024x128xf32>
    %mul3A = vector.broadcast %rsqrt3A : vector<1024x1xf32> to vector<1024x128xf32>
    %mul3A_15 = arith.mulf %mul3A, %dot_general3A_14 : vector<1024x128xf32>
    %swap3A = arith.constant 0 : index
    %swap3A_16 = arith.constant 0 : index
    %swap3A_17 = vector.load %arg5[%swap3A, %swap3A_16] : memref<1024x128xf32, #tpu.memory_space<vmem>>, vector<1024x128xf32>
    tpu.vector_store %arg5[%swap3A, %swap3A_16], %mul3A_15 {strides = array<i32>} : memref<1024x128xf32, #tpu.memory_space<vmem>>, vector<1024x128xf32>,
    return
  }
  func.func @transform_0(%arg0: i32) -> (i32, i32) {
    %c0_i32 = arith.constant 0 : i32
    %c0_i32_0 = arith.constant 0 : i32
    return %arg0, %c0_i32 : i32, i32
  }
  func.func @transform_1(%arg0: i32) -> (i32, i32) {
    %c0_i32 = arith.constant 0 : i32
    %c0_i32_0 = arith.constant 0 : i32
    return %arg0, %c0_i32 : i32, i32
  }
  func.func @transform_2(%arg0: i32) -> (i32, i32) {
    %c0_i32 = arith.constant 0 : i32
    %c0_i32_0 = arith.constant 0 : i32
    return %arg0, %c0_i32 : i32, i32
  }
  func.func @transform_3(%arg0: i32) -> (i32, i32) {
    %c0_i32 = arith.constant 0 : i32
    %c0_i32_0 = arith.constant 0 : i32
    %c0_i32_1 = arith.constant 0 : i32
    return %c0_i32, %c0_i32_0 : i32, i32
  }
  func.func @transform_4(%arg0: i32) -> (i32, i32) {
    %c0_i32 = arith.constant 0 : i32
    %c0_i32_0 = arith.constant 0 : i32
    return %arg0, %c0_i32 : i32, i32
  }
}

module attributes {stable_mosaic.version = 14 : i64} {
  func.func @_tc2_body(%arg0: i32, %arg1: memref<1024x16xf32, #tpu.memory_space<vmem>>, %arg2: memref<1024x16xf32, #tpu.memory_space<vmem>>, %arg3: memref<1024x128xf32, #tpu.memory_space<vmem>>, %arg4: memref<1024x128xf32, #tpu.memory_space<vmem>>, %arg5: memref<1024x128xf32, #tpu.memory_space<vmem>>, %arg6: memref<1x128xf32, #tpu.memory_space<vmem>>, %arg7: memref<1024x128xf32, #tpu.memory_space<vmem>>, %arg8: memref<1024x128xf32, #tpu.memory_space<vmem>>) attributes {dimension_semantics = [#tpu.dimension_semantics<arbitrary>], iteration_bounds = array<i64: 10>, scalar_prefetch = 0 : i64, scratch_operands = 0 : i64, tpu.core_type = #tpu.core_type<tc>, window_params = [{transform_indices = @transform_0, window_bounds = array<i64: 1024, 16>}, {transform_indices = @transform_1, window_bounds = array<i64: 1024, 16>}, {transform_indices = @transform_2, window_bounds = array<i64: 1024, 128>}, {transform_indices = @transform_3, window_bounds = array<i64: 1024, 128>}, {transform_indices = @transform_4, window_bounds = array<i64: 1024, 128>}, {pipeline_mode = #tpu.pipeline_mode<synchronous>, transform_indices = @transform_5, window_bounds = array<i64: 1, 128>}, {transform_indices = @transform_6, window_bounds = array<i64: 1024, 128>}, {transform_indices = @transform_7, window_bounds = array<i64: 1024, 128>}]} {
    %get3A = arith.constant 0 : index
    %get3A_0 = arith.constant 0 : index
    %get3A_1 = vector.load %arg1[%get3A, %get3A_0] : memref<1024x16xf32, #tpu.memory_space<vmem>>, vector<1024x1xf32>
    %get3A_2 = arith.constant 0 : index
    %get3A_3 = arith.constant 0 : index
    %get3A_4 = vector.load %arg2[%get3A_2, %get3A_3] : memref<1024x16xf32, #tpu.memory_space<vmem>>, vector<1024x1xf32>
    %add3A = arith.addf %get3A_1, %get3A_4 : vector<1024x1xf32>
    %add3A_5 = arith.constant 1.000000e+00 : f32
    %add3A_6 = vector.broadcast %add3A_5 : f32 to vector<1024x1xf32>
    %add3A_7 = arith.addf %add3A, %add3A_6 : vector<1024x1xf32>
    %rsqrt3A = math.rsqrt %add3A_7 : vector<1024x1xf32>
    %get3A_8 = arith.constant 0 : index
    %get3A_9 = arith.constant 0 : index
    %get3A_10 = vector.load %arg3[%get3A_8, %get3A_9] : memref<1024x128xf32, #tpu.memory_space<vmem>>, vector<1024x128xf32>
    %get3A_11 = arith.constant 0 : index
    %get3A_12 = arith.constant 0 : index
    %get3A_13 = vector.load %arg4[%get3A_11, %get3A_12] : memref<1024x128xf32, #tpu.memory_space<vmem>>, vector<1024x128xf32>
    %add3A_14 = arith.addf %get3A_10, %get3A_13 : vector<1024x128xf32>
    %get3A_15 = arith.constant 0 : index
    %get3A_16 = arith.constant 0 : index
    %get3A_17 = vector.load %arg5[%get3A_15, %get3A_16] : memref<1024x128xf32, #tpu.memory_space<vmem>>, vector<1024x128xf32>
    %add3A_18 = arith.addf %add3A_14, %get3A_17 : vector<1024x128xf32>
    %mul3A = vector.broadcast %rsqrt3A : vector<1024x1xf32> to vector<1024x128xf32>
    %mul3A_19 = arith.mulf %mul3A, %add3A_18 : vector<1024x128xf32>
    %get3A_20 = arith.constant 0 : index
    %get3A_21 = arith.constant 0 : index
    %get3A_22 = vector.load %arg6[%get3A_20, %get3A_21] : memref<1x128xf32, #tpu.memory_space<vmem>>, vector<1x128xf32>
    %add3A_23 = vector.broadcast %get3A_22 : vector<1x128xf32> to vector<1024x128xf32>
    %add3A_24 = arith.addf %mul3A_19, %add3A_23 : vector<1024x128xf32>
    %max3A = arith.constant 0.000000e+00 : f32
    %max3A_25 = vector.broadcast %max3A : f32 to vector<1024x128xf32>
    %max3A_26 = arith.maximumf %add3A_24, %max3A_25 : vector<1024x128xf32>
    %swap3A = arith.constant 0 : index
    %swap3A_27 = arith.constant 0 : index
    %swap3A_28 = vector.load %arg7[%swap3A, %swap3A_27] : memref<1024x128xf32, #tpu.memory_space<vmem>>, vector<1024x128xf32>
    tpu.vector_store %arg7[%swap3A, %swap3A_27], %max3A_26 {strides = array<i32>} : memref<1024x128xf32, #tpu.memory_space<vmem>>, vector<1024x128xf32>,
    %mul3A_29 = vector.broadcast %rsqrt3A : vector<1024x1xf32> to vector<1024x128xf32>
    %mul3A_30 = arith.mulf %mul3A_29, %max3A_26 : vector<1024x128xf32>
    %swap3A_31 = arith.constant 0 : index
    %swap3A_32 = arith.constant 0 : index
    %swap3A_33 = vector.load %arg8[%swap3A_31, %swap3A_32] : memref<1024x128xf32, #tpu.memory_space<vmem>>, vector<1024x128xf32>
    tpu.vector_store %arg8[%swap3A_31, %swap3A_32], %mul3A_30 {strides = array<i32>} : memref<1024x128xf32, #tpu.memory_space<vmem>>, vector<1024x128xf32>,
    return
  }
  func.func @transform_0(%arg0: i32) -> (i32, i32) {
    %c0_i32 = arith.constant 0 : i32
    %c0_i32_0 = arith.constant 0 : i32
    return %arg0, %c0_i32 : i32, i32
  }
  func.func @transform_1(%arg0: i32) -> (i32, i32) {
    %c0_i32 = arith.constant 0 : i32
    %c0_i32_0 = arith.constant 0 : i32
    return %arg0, %c0_i32 : i32, i32
  }
  func.func @transform_2(%arg0: i32) -> (i32, i32) {
    %c0_i32 = arith.constant 0 : i32
    %c0_i32_0 = arith.constant 0 : i32
    return %arg0, %c0_i32 : i32, i32
  }
  func.func @transform_3(%arg0: i32) -> (i32, i32) {
    %c0_i32 = arith.constant 0 : i32
    %c0_i32_0 = arith.constant 0 : i32
    return %arg0, %c0_i32 : i32, i32
  }
  func.func @transform_4(%arg0: i32) -> (i32, i32) {
    %c0_i32 = arith.constant 0 : i32
    %c0_i32_0 = arith.constant 0 : i32
    return %arg0, %c0_i32 : i32, i32
  }
  func.func @transform_5(%arg0: i32) -> (i32, i32) {
    %c0_i32 = arith.constant 0 : i32
    %c0_i32_0 = arith.constant 0 : i32
    %c0_i32_1 = arith.constant 0 : i32
    return %c0_i32, %c0_i32_0 : i32, i32
  }
  func.func @transform_6(%arg0: i32) -> (i32, i32) {
    %c0_i32 = arith.constant 0 : i32
    %c0_i32_0 = arith.constant 0 : i32
    return %arg0, %c0_i32 : i32, i32
  }
  func.func @transform_7(%arg0: i32) -> (i32, i32) {
    %c0_i32 = arith.constant 0 : i32
    %c0_i32_0 = arith.constant 0 : i32
    return %arg0, %c0_i32 : i32, i32
  }
}

module attributes {stable_mosaic.version = 14 : i64} {
  func.func @_tc3_body(%arg0: i32, %arg1: memref<1024x16xf32, #tpu.memory_space<vmem>>, %arg2: memref<1024x16xf32, #tpu.memory_space<vmem>>, %arg3: memref<1024x128xf32, #tpu.memory_space<vmem>>, %arg4: memref<1024x128xf32, #tpu.memory_space<vmem>>, %arg5: memref<1024x128xf32, #tpu.memory_space<vmem>>, %arg6: memref<128x48xf32, #tpu.memory_space<vmem>>, %arg7: memref<1x48xf32, #tpu.memory_space<vmem>>, %arg8: memref<1024x48xf32, #tpu.memory_space<vmem>>, %arg9: memref<1024x48xf32, #tpu.memory_space<vmem>>) attributes {dimension_semantics = [#tpu.dimension_semantics<arbitrary>], iteration_bounds = array<i64: 10>, scalar_prefetch = 0 : i64, scratch_operands = 0 : i64, tpu.core_type = #tpu.core_type<tc>, window_params = [{transform_indices = @transform_0, window_bounds = array<i64: 1024, 16>}, {transform_indices = @transform_1, window_bounds = array<i64: 1024, 16>}, {transform_indices = @transform_2, window_bounds = array<i64: 1024, 128>}, {transform_indices = @transform_3, window_bounds = array<i64: 1024, 128>}, {transform_indices = @transform_4, window_bounds = array<i64: 1024, 128>}, {pipeline_mode = #tpu.pipeline_mode<synchronous>, transform_indices = @transform_5, window_bounds = array<i64: 128, 48>}, {pipeline_mode = #tpu.pipeline_mode<synchronous>, transform_indices = @transform_6, window_bounds = array<i64: 1, 48>}, {transform_indices = @transform_7, window_bounds = array<i64: 1024, 48>}, {transform_indices = @transform_8, window_bounds = array<i64: 1024, 48>}]} {
    %get3A = arith.constant 0 : index
    %get3A_0 = arith.constant 0 : index
    %get3A_1 = vector.load %arg1[%get3A, %get3A_0] : memref<1024x16xf32, #tpu.memory_space<vmem>>, vector<1024x1xf32>
    %get3A_2 = arith.constant 0 : index
    %get3A_3 = arith.constant 0 : index
    %get3A_4 = vector.load %arg2[%get3A_2, %get3A_3] : memref<1024x16xf32, #tpu.memory_space<vmem>>, vector<1024x1xf32>
    %add3A = arith.addf %get3A_1, %get3A_4 : vector<1024x1xf32>
    %add3A_5 = arith.constant 1.000000e+00 : f32
    %add3A_6 = vector.broadcast %add3A_5 : f32 to vector<1024x1xf32>
    %add3A_7 = arith.addf %add3A, %add3A_6 : vector<1024x1xf32>
    %rsqrt3A = math.rsqrt %add3A_7 : vector<1024x1xf32>
    %get3A_8 = arith.constant 0 : index
    %get3A_9 = arith.constant 0 : index
    %get3A_10 = vector.load %arg3[%get3A_8, %get3A_9] : memref<1024x128xf32, #tpu.memory_space<vmem>>, vector<1024x128xf32>
    %get3A_11 = arith.constant 0 : index
    %get3A_12 = arith.constant 0 : index
    %get3A_13 = vector.load %arg4[%get3A_11, %get3A_12] : memref<1024x128xf32, #tpu.memory_space<vmem>>, vector<1024x128xf32>
    %add3A_14 = arith.addf %get3A_10, %get3A_13 : vector<1024x128xf32>
    %get3A_15 = arith.constant 0 : index
    %get3A_16 = arith.constant 0 : index
    %get3A_17 = vector.load %arg5[%get3A_15, %get3A_16] : memref<1024x128xf32, #tpu.memory_space<vmem>>, vector<1024x128xf32>
    %add3A_18 = arith.addf %add3A_14, %get3A_17 : vector<1024x128xf32>
    %mul3A = vector.broadcast %rsqrt3A : vector<1024x1xf32> to vector<1024x128xf32>
    %mul3A_19 = arith.mulf %mul3A, %add3A_18 : vector<1024x128xf32>
    %get3A_20 = arith.constant 0 : index
    %get3A_21 = arith.constant 0 : index
    %get3A_22 = vector.load %arg6[%get3A_20, %get3A_21] : memref<128x48xf32, #tpu.memory_space<vmem>>, vector<128x48xf32>
    %dot_general3A = arith.constant dense<0.000000e+00> : vector<1024x48xf32>
    %dot_general3A_23 = tpu.matmul %mul3A_19, %get3A_22, %dot_general3A {dimension_numbers = #tpu.dot_dimension_numbers<[1], [0], [0], [1], [0, 0, 1, 1], [], []>, transpose_lhs_hint = false} : vector<1024x128xf32>, vector<128x48xf32>, vector<1024x48xf32> -> vector<1024x48xf32>
    %get3A_24 = arith.constant 0 : index
    %get3A_25 = arith.constant 0 : index
    %get3A_26 = vector.load %arg7[%get3A_24, %get3A_25] : memref<1x48xf32, #tpu.memory_space<vmem>>, vector<1x48xf32>
    %add3A_27 = vector.broadcast %get3A_26 : vector<1x48xf32> to vector<1024x48xf32>
    %add3A_28 = arith.addf %dot_general3A_23, %add3A_27 : vector<1024x48xf32>
    %iota3A = tpu.iota {dimensions = array<i32: 1>} : vector<1024x48xi32>
    %lt3A = arith.constant 40 : i32
    %lt3A_29 = vector.broadcast %lt3A : i32 to vector<1024x48xi32>
    %lt3A_30 = arith.cmpi slt, %iota3A, %lt3A_29 : vector<1024x48xi32>
    %jit3A = arith.constant 0xFF800000 : f32
    %broadcast_in_dim3A = vector.broadcast %jit3A : f32 to vector<1024x48xf32>
    %select_n3A = arith.select %lt3A_30, %add3A_28, %broadcast_in_dim3A : vector<1024x48xi1>, vector<1024x48xf32>
    %reduce_max3A = arith.constant dense<0xFF800000> : vector<1024xf32>
    %reduce_max3A_31 = vector.multi_reduction <maximumf>, %select_n3A, %reduce_max3A [1] : vector<1024x48xf32> to vector<1024xf32>
    %broadcast_in_dim3A_32 = vector.shape_cast %reduce_max3A_31 : vector<1024xf32> to vector<1024x1xf32>
    %sub3A = vector.broadcast %broadcast_in_dim3A_32 : vector<1024x1xf32> to vector<1024x48xf32>
    %sub3A_33 = arith.subf %add3A_28, %sub3A : vector<1024x48xf32>
    %exp3A = math.exp %sub3A_33 : vector<1024x48xf32>
    %jit3A_34 = arith.constant 0.000000e+00 : f32
    %broadcast_in_dim3A_35 = vector.broadcast %jit3A_34 : f32 to vector<1024x48xf32>
    %select_n3A_36 = arith.select %lt3A_30, %exp3A, %broadcast_in_dim3A_35 : vector<1024x48xi1>, vector<1024x48xf32>
    %reduce_sum3A = arith.constant dense<0.000000e+00> : vector<1024xf32>
    %reduce_sum3A_37 = vector.multi_reduction <add>, %select_n3A_36, %reduce_sum3A [1] : vector<1024x48xf32> to vector<1024xf32>
    %broadcast_in_dim3A_38 = vector.shape_cast %reduce_sum3A_37 : vector<1024xf32> to vector<1024x1xf32>
    %log3A = math.log %broadcast_in_dim3A_38 : vector<1024x1xf32>
    %swap3A = arith.constant 0 : index
    %swap3A_39 = arith.constant 0 : index
    %swap3A_40 = vector.load %arg8[%swap3A, %swap3A_39] : memref<1024x48xf32, #tpu.memory_space<vmem>>, vector<1024x48xf32>
    tpu.vector_store %arg8[%swap3A, %swap3A_39], %add3A_28 {strides = array<i32>} : memref<1024x48xf32, #tpu.memory_space<vmem>>, vector<1024x48xf32>,
    %add3A_41 = arith.addf %broadcast_in_dim3A_32, %log3A : vector<1024x1xf32>
    %sub3A_42 = vector.broadcast %add3A_41 : vector<1024x1xf32> to vector<1024x48xf32>
    %sub3A_43 = arith.subf %add3A_28, %sub3A_42 : vector<1024x48xf32>
    %swap3A_44 = arith.constant 0 : index
    %swap3A_45 = arith.constant 0 : index
    %swap3A_46 = vector.load %arg9[%swap3A_44, %swap3A_45] : memref<1024x48xf32, #tpu.memory_space<vmem>>, vector<1024x48xf32>
    tpu.vector_store %arg9[%swap3A_44, %swap3A_45], %sub3A_43 {strides = array<i32>} : memref<1024x48xf32, #tpu.memory_space<vmem>>, vector<1024x48xf32>,
    return
  }
  func.func @transform_0(%arg0: i32) -> (i32, i32) {
    %c0_i32 = arith.constant 0 : i32
    %c0_i32_0 = arith.constant 0 : i32
    return %arg0, %c0_i32 : i32, i32
  }
  func.func @transform_1(%arg0: i32) -> (i32, i32) {
    %c0_i32 = arith.constant 0 : i32
    %c0_i32_0 = arith.constant 0 : i32
    return %arg0, %c0_i32 : i32, i32
  }
  func.func @transform_2(%arg0: i32) -> (i32, i32) {
    %c0_i32 = arith.constant 0 : i32
    %c0_i32_0 = arith.constant 0 : i32
    return %arg0, %c0_i32 : i32, i32
  }
  func.func @transform_3(%arg0: i32) -> (i32, i32) {
    %c0_i32 = arith.constant 0 : i32
    %c0_i32_0 = arith.constant 0 : i32
    return %arg0, %c0_i32 : i32, i32
  }
  func.func @transform_4(%arg0: i32) -> (i32, i32) {
    %c0_i32 = arith.constant 0 : i32
    %c0_i32_0 = arith.constant 0 : i32
    return %arg0, %c0_i32 : i32, i32
  }
  func.func @transform_5(%arg0: i32) -> (i32, i32) {
    %c0_i32 = arith.constant 0 : i32
    %c0_i32_0 = arith.constant 0 : i32
    %c0_i32_1 = arith.constant 0 : i32
    return %c0_i32, %c0_i32_0 : i32, i32
  }
  func.func @transform_6(%arg0: i32) -> (i32, i32) {
    %c0_i32 = arith.constant 0 : i32
    %c0_i32_0 = arith.constant 0 : i32
    %c0_i32_1 = arith.constant 0 : i32
    return %c0_i32, %c0_i32_0 : i32, i32
  }
  func.func @transform_7(%arg0: i32) -> (i32, i32) {
    %c0_i32 = arith.constant 0 : i32
    %c0_i32_0 = arith.constant 0 : i32
    return %arg0, %c0_i32 : i32, i32
  }
  func.func @transform_8(%arg0: i32) -> (i32, i32) {
    %c0_i32 = arith.constant 0 : i32
    %c0_i32_0 = arith.constant 0 : i32
    return %arg0, %c0_i32 : i32, i32
  }
}

</mosaic_0001>

<sc_bundles>
// kernel: kernel.11.cloned.1.call-start
scs
__scs_entry_jumppad:
0x0: {  	(pc) =	sbr.rel $0x88, $3  }
0x1: {  	(tag) =	ssettag $0x0;
	lr =	simm.s32 $0x1  }
0x2: {  	[smem:$0x3F9B] =	sst lr;
	_ =	strace $0xD0000000  }
0x3: {  	_ = 	snop  }
0x4: {  	_ = 	snop  }
0x5: {  	_ = 	snop  }
0x6: {  	_ = 	snop  }
0x7: {  	_ = 	snop  }
__scs_overlays_trampoline_lowered:
0x8: {  	[smem:$0x3FAA] =	sst s0  }
0x9: {  	[smem:$0x3FAB] =	sst s1  }
0xa: {  	[smem:$0x3FAC] =	sst s2  }
0xb: {  	[smem:$0x3FAD] =	sst s3  }
0xc: {  	[smem:$0x3FAE] =	sst s4  }
0xd: {  	[smem:$0x3FAF] =	sst s5  }
0xe: {  	[smem:$0x3FB0] =	sst s6  }
0xf: {  	[smem:$0x3FB1] =	sst s7  }
0x10: {  	[smem:$0x3FB2] =	sst s8  }
0x11: {  	[smem:$0x3FB3] =	sst s9;
	s0 =	simm.s32 @!p0 $0x0  }
0x12: {  	s1 =	sld [smem:$0x3F99];
	s0 =	simm.s32 @p0 $0x1  }
0x13: {  	[smem:$0x3FB4] =	sst s0;
	s0 =	simm.s32 @!p1 $0x0  }
0x14: {  	s2 =	sld [smem:$0x3F98];
	s0 =	simm.s32 @p1 $0x1  }
0x15: {  	[smem:$0x3FB5] =	sst s0;
	s0 =	simm.s32 @!p2 $0x0  }
0x16: {  	s3 =	sld [smem:$0x3FDB];
	s0 =	simm.s32 @p2 $0x1  }
0x17: {  	s4 =	simm.s32 $0x1BF5;
	[smem:$0x3FB7] =	sst s0  }
0x18: {  	s0 =	sld [smem:$0x3F9A];
	_ =	swait.ge [sflag:s4], $0x0  }
0x19: {  	s7 =	sld [smem:$0x3F9B]  }
0x1a: {  	s8 =	sadd.s32 $0xFFFFE003, lr  }
0x1b: {  	s9 =	sadd.s32 $0xFFFFFEF7, lr;
	s5 =	simm.s32 $0xFFFFFFFF;
	p2 =	slt.u32 s8, $0xFFFFF086  }
0x1c: {  	p1 =	slt.u32 s9, $0xF7A;
	s5 =	simm.s32 @!p2 $0x0  }
0x1d: {  	s5 =	simm.s32 @p1 $0x1;
	p0 =	seq.s32 s7, s2  }
0x1e: {  	s7 =	smul.u32 @!p0 $0xF7A, s2;
	p2 =	seq.s32 @!p0 s5, $0x0  }
0x1f: {  	s9 =	smul.u32 $0xF7A, s1;
	s8 =	simm.s32 @!p0 $0x1BF5;
	p2 =	por !p2, p0  }
0x20: {  	[sflag:s8] =	ssyncset.s32 @!p0 $0xFFFFF086;
	s6 =	sadd.s32 @!p0 s3, s7;
	s7 =	simm.s32 @!p0 $0x108  }
0x21: {  	s3 =	sadd.s32 s3, s9;
	s6 =	sadd.s32 @!p0 $0x88, s6;
	s7 =	simm.s32 @p2 $0x1082  }
0x22: {  	[simem:s7], [sflag:s8] =	dma.local @!p0 [hbm:s6], $0xF7A  }
0x23: {  	s9 =	sor.u32 $0xD0000000, s2;
	s6 =	simm.s32 $0x108;
	_ =	swait.ge @!p0 [sflag:s8], $0x0  }
0x24: {  	s3 =	sadd.s32 $0x88, s3;
	s6 =	simm.s32 @!p1 $0x1082;
	[sflag:s4] =	ssyncset.s32 $0xFFFFF086  }
0x25: {  	[simem:s6], [sflag:s4] =	dma.local [hbm:s3], $0xF7A  }
0x26: {  	[smem:$0x3F9B] =	sst s1;
	(tag) =	ssettag s2;
	_ =	strace s9  }
0x27: {  	s1 =	sld [smem:$0x3FAB]  }
0x28: {  	s2 =	sld [smem:$0x3FAC]  }
0x29: {  	s4 =	sld [smem:$0x3FAE]  }
0x2a: {  	p0 =	seq.s32 s5, $0x0;
	s5 =	sld [smem:$0x3FAF]  }
0x2b: {  	s6 =	sld [smem:$0x3FB0]  }
0x2c: {  	s7 =	sld [smem:$0x3FB1]  }
0x2d: {  	s3 =	simm.s32 $0x108;
	s8 =	sld [smem:$0x3FB2]  }
0x2e: {  	s3 =	simm.s32 @!p0 $0x1082;
	s9 =	sld [smem:$0x3FB3]  }
0x2f: {  	lr =	sadd.s32 s0, s3;
	s0 =	sld [smem:$0x3FAA]  }
0x30: {  	s3 =	sld [smem:$0x3FAD]  }
0x31: {  	[smem:$0x3FB6] =	sst s10  }
0x32: {  	s10 =	sld [smem:$0x3FB4];
	_ =	sdelay $0x3  }
0x33: {  	p0 =	seq.s32 s10, $0x1;
	s10 =	sld [smem:$0x3FB6];
	_ =	sdelay $0x3  }
0x34: {  	[smem:$0x3FB6] =	sst s10  }
0x35: {  	s10 =	sld [smem:$0x3FB5];
	_ =	sdelay $0x3  }
0x36: {  	p1 =	seq.s32 s10, $0x1;
	s10 =	sld [smem:$0x3FB6];
	_ =	sdelay $0x3  }
0x37: {  	[smem:$0x3FB6] =	sst s10  }
0x38: {  	s10 =	sld [smem:$0x3FB7]  }
0x39: {  	_ = 	snop;
	(pc) =	sbr.ind lr, $3  }
0x3a: {  	_ = 	snop  }
0x3b: {  	_ = 	snop  }
0x3c: {  	p2 =	seq.s32 s10, $0x1;
	s10 =	sld [smem:$0x3FB6]  }
0x3d: {  	_ =	shalt  }
0x3e: {  	_ =	shalt  }
0x3f: {  	_ =	shalt  }
0x40: {  	_ =	shalt  }
0x41: {  	_ =	shalt  }
0x42: {  	_ =	shalt  }
0x43: {  	_ =	shalt  }
0x44: {  	_ =	shalt  }
0x45: {  	_ =	shalt  }
0x46: {  	_ =	shalt  }
0x47: {  	_ =	shalt  }
0x48: {  	_ =	shalt  }
0x49: {  	_ =	shalt  }
0x4a: {  	_ =	shalt  }
0x4b: {  	_ =	shalt  }
0x4c: {  	_ =	shalt  }
0x4d: {  	_ =	shalt  }
0x4e: {  	_ =	shalt  }
0x4f: {  	_ =	shalt  }
0x50: {  	_ =	shalt  }
0x51: {  	_ =	shalt  }
0x52: {  	_ =	shalt  }
0x53: {  	_ =	shalt  }
0x54: {  	_ =	shalt  }
0x55: {  	_ =	shalt  }
0x56: {  	_ =	shalt  }
0x57: {  	_ =	shalt  }
0x58: {  	_ =	shalt  }
0x59: {  	_ =	shalt  }
0x5a: {  	_ =	shalt  }
0x5b: {  	_ =	shalt  }
0x5c: {  	_ =	shalt  }
0x5d: {  	_ =	shalt  }
0x5e: {  	_ =	shalt  }
0x5f: {  	_ =	shalt  }
0x60: {  	_ =	shalt  }
0x61: {  	_ =	shalt  }
0x62: {  	_ =	shalt  }
0x63: {  	_ =	shalt  }
0x64: {  	_ =	shalt  }
0x65: {  	_ =	shalt  }
0x66: {  	_ =	shalt  }
0x67: {  	_ =	shalt  }
0x68: {  	_ =	shalt  }
0x69: {  	_ =	shalt  }
0x6a: {  	_ =	shalt  }
0x6b: {  	_ =	shalt  }
0x6c: {  	_ =	shalt  }
0x6d: {  	_ =	shalt  }
0x6e: {  	_ =	shalt  }
0x6f: {  	_ =	shalt  }
0x70: {  	_ =	shalt  }
0x71: {  	_ =	shalt  }
0x72: {  	_ =	shalt  }
0x73: {  	_ =	shalt  }
0x74: {  	_ =	shalt  }
0x75: {  	_ =	shalt  }
0x76: {  	_ =	shalt  }
0x77: {  	_ =	shalt  }
0x78: {  	_ =	shalt  }
0x79: {  	_ =	shalt  }
0x7a: {  	_ =	shalt  }
0x7b: {  	_ =	shalt  }
0x7c: {  	_ =	shalt  }
0x7d: {  	_ =	shalt  }
0x7e: {  	_ =	shalt  }
0x7f: {  	_ =	shalt  }
0x80: {  	_ =	shalt  }
0x81: {  	_ =	shalt  }
0x82: {  	_ =	shalt  }
0x83: {  	_ =	shalt  }
0x84: {  	_ =	shalt  }
0x85: {  	_ =	shalt  }
0x86: {  	_ =	shalt  }
0x87: {  	_ =	shalt  }
.Lfunc_end0:
.L_simem_size_0:
called_computation.1_lowered:
.L_overlay_start_0:
0x88: {  	s2 =	sld [smem:$0x3FD9]  }
0x89: {  	s3 =	sld [smem:$0x3FFE];
	_ =	sdelay $0x1  }
0x8a: {  	s1 =	srdreg.scid  }
0x8b: {  	s0 =	sand.u32 $0x1, s1  }
0x8c: {  	s14 =	sshll.u32 s0, $0xA;
	s2 =	sadd.s32 s3, s2  }
0x8d: {  	s2 =	sadd.s32 s2, s14  }
0x8e: {  	[smem:$0x3FC2] =	sst s2  }
0x8f: {  	_ = 	snop  }
0x90: {  	s2 =	sld [smem:$0x3FD0];
	_ =	sdelay $0x2  }
0x91: {  	s15 =	simm.s32 $0xA;
	s4 =	simm.s32 $0x10  }
0x92: {  	[smem:s4], [sflag:s15] =	dma.local [hbm:s2], $0x1  }
0x93: {  	_ =	swait.eq [sflag:s15], $0x1  }
0x94: {  	[sflag:s15] =	ssyncset.done $0x0  }
0x95: {  	s16 =	sld [smem:$0x11];
	[sflag:s15] =	ssyncadd.s32 $0xFFFFFFFF  }
0x96: {  	s17 =	sld [smem:$0x12];
	(tm) =	ssettm $0x1  }
0x97: {  	s18 =	sld [smem:$0x3FFB];
	_ =	sdelay $0x3  }
0x98: {  	_ =	strace s18  }
0x99: {  	s4 =	sld [smem:$0x3FFC];
	_ =	sdelay $0x3  }
0x9a: {  	_ =	strace s4  }
0x9b: {  	s4 =	sld [smem:$0x3FFD];
	_ =	sdelay $0x3  }
0x9c: {  	_ =	strace s4  }
0x9d: {  	_ =	strace $0x8FFFFFFF  }
0x9e: {  	s19 =	sld [smem:$0x3FDB];
	_ =	sdelay $0x1  }
0x9f: {  	s5 =	simm.s32 $_scs_section_size  }
0xa0: {  	s6 =	simm.s32 $_size__tile_overlayer_lowered;
	s7 =	simm.s32 $_tile_overlayer_lowered  }
0xa1: {  	s22 =	simm.s32 $0x1BFF;
	s21 =	sshll.u32 s7, $0x1;
	s4 =	sadd.s32 s5, s19  }
0xa2: {  	s8 =	simm.s32 $0x0;
	s20 =	sshll.u32 s6, $0x1;
	s6 =	sadd.s32 s21, s4  }
0xa3: {  	[timem:s8], [sflag:s22] =	dma.local [hbm:s6], s20  }
0xa4: {  	_ =	swait.ge [sflag:s22], s20  }
0xa5: {  	s5 =	ssub.s32 $0x0, s20;
	[sflag:s22] =	ssyncset.done $0x0  }
0xa6: {  	[sflag:s22] =	ssyncadd.s32 s5;
	_ =	sdelay $0x1  }
0xa7: {  	s23 =	simm.s32 $0x1B8B  }
0xa8: {  	_ =	swait.ge [sflag:s23], $0x1  }
0xa9: {  	[sflag:s23] =	ssyncset.done $0x0  }
0xaa: {  	s25 =	simm.s32 $0x1B8E;
	s24 =	sld [smem:$0x3FFE];
	[sflag:s23] =	ssyncadd.s32 $0xFFFFFFFF  }
0xab: {  	s26 =	simm.s32 $execute0_lowered;
	[smem:$0x3FD2] =	sst s25  }
0xac: {  	s6 =	sshll.u32 s26, $0x1;
	_ =	strace $0x80000049;
	[dreg:$0x1] =	wrdreg $0xFFFFFFFF  }
0xad: {  	s28 =	simm.s32 $_size_execute0_lowered;
	s4 =	sadd.s32 s4, s6;
	[dreg:$0x0] =	wrdreg $0x0  }
0xae: {  	s6 =	sshll.u32 s28, $0x1;
	[dreg:$0x2] =	wrdreg s4  }
0xaf: {  	[dreg:$0x3] =	wrdreg s6  }
0xb0: {  	[dreg:$0x4] =	wrdreg $0xC0  }
0xb1: {  	_ =	task [dreg:s8], $0x5FFFF  }
0xb2: {  	[dreg:$0x1] =	wrdreg $0xFFFFFFFF  }
0xb3: {  	[dreg:$0x0] =	wrdreg $0x60  }
0xb4: {  	[dreg:$0x2] =	wrdreg s24  }
0xb5: {  	[dreg:$0x3] =	wrdreg s16  }
0xb6: {  	[dreg:$0x4] =	wrdreg s17  }
0xb7: {  	[dreg:$0x5] =	wrdreg $0x90000  }
0xb8: {  	[dreg:$0x6] =	wrdreg $0x9  }
0xb9: {  	_ =	task.clear_ibuf [dreg:s8], $0x7FFFF;
	_ =	strace $0x90000049  }
0xba: {  	s29 =	simm.s32 $0x9;
	_ =	strace $0x8000004B  }
0xbb: {  	_ =	swait.ge [sflag:s29], $0x1  }
0xbc: {  	[sflag:s29] =	ssyncadd.s32 $0xFFFFFFFF  }
0xbd: {  	_ =	strace $0x9000004B  }
0xbe: {  	_ =	sfence  }
0xbf: {  	s30 =	sld [smem:$0x0];
	_ =	sdelay $0x2  }
0xc0: {  	s31 =	sshll.u32 s1, $0xD;
	s1 =	sshrl.u32 s1, $0x2  }
0xc1: {  	s3 =	sand.u32 $0x4000, s31;
	s1 =	sadd.s32 s1, s30  }
0xc2: {  	s0 =	sor.u32 s3, s0;
	s1 =	sshll.u32 s1, $0x11  }
0xc3: {  	s0 =	sor.u32 s1, s0  }
0xc4: {  	s0 =	sadd.s32 $0x8F2B, s0  }
0xc5: {  	[sflag:s0] =	ssyncadd.remote.s32 $0x1  }
0xc6: {  	_ =	sfence.sel $0xFFFF  }
0xc7: {  	[dreg:$0x0] =	wrdreg $0xFFFFFFFF;
	(pc) =	sbr.abs _section_cstart, $3  }
0xc8: {  	[dreg:$0x1] =	wrdreg $0xFFFFFFFF  }
0xc9: {  	_ =	task.clear_ibuf [dreg:s8], $0x2FFFF;
	_ =	strace $0x9FFFFFFF  }
0xca: {  	(tm) =	ssettm $0x7FFFFFFF  }
0xcb: {  	_ =	shalt  }
tec
execute0_lowered:
.L_overlay_start_1:
0x0: {  	(tag) =	ssettag $0x1  }
0x1: {  	s5 =	rddreg [dreg:$0x0]  }
0x2: {  	s6 =	rddreg [dreg:$0x1]  }
0x3: {  	s7 =	rddreg [dreg:$0x2]  }
0x4: {  	s1 =	rddreg [dreg:$0x3]  }
0x5: {  	s2 =	srdreg.scid;
	s0 =	rddreg [dreg:$0x4];
	s3 =	simm.s32 $0x0  }
0x6: {  	s15 =	simm.s32 $0x2800;
	s16 =	simm.s32 $0x5000;
	s17 =	simm.s32 $0x80  }
0x7: {  	s18 =	simm.s32 $0x1;
	s8 =	sand.u32 $0x1, s2;
	s2 =	stileid.u32  }
0x8: {  	s21 =	simm.s32 $0x0;
	[smem:$0x7FF] =	sst s3;
	s9 =	smul.u32 $0x140000, s8  }
0x9: {  	s4 =	sadd.s32 $0x1C00, s5;
	s10 =	smul.u32 $0x14000, s2;
	_ =	strace $0x8000004A  }
0xa: {  	s30 =	sshll.u32 s8, $0x4;
	s8 =	ssub.s32 $0x2, s8;
	s11 =	smul.u32 $0x50000, s2  }
0xb: {  	s19 =	sshll.u32 s2, $0x6;
	s9 =	sadd.s32 s10, s9;
	s10 =	sor.u32 s2, s30  }
0xc: {  	s12 =	sshrl.u32 s8, $0x1;
	s19 =	sor.u32 $0x1C02, s19;
	s10 =	smul.u32 $0x500, s10  }
0xd: {  	s14 =	ssub.s32 s8, s12;
	s31 =	sshrl.u32 s11, $0x2;
	s9 =	sshrl.u32 s9, $0x3  }
0xe: {  	s13 =	sadd.s32 s9, s5;
	s5 =	sadd.s32 s6, s10;
	s6 =	sadd.s32 s7, s10  }
0xf: {  	s7 =	sadd.s32 s31, s1;
	s12 =	sadd.s32 $0x29C00, s13;
	s13 =	smax.u32 s14, $0x1  }
0x10: {  	s14 =	simm.s32 $0x2;
	s8 =	sadd.s32 $0x4000, s7;
	s9 =	sadd.s32 $0x8000, s7  }
0x11: {  	v0 =	vimm.f32 $0.0e+00;
	s10 =	sadd.s32 $0xC000, s7;
	s11 =	sadd.s32 $0x10000, s7;
	s20 =	sshrl.u32 s7, $0x3  }
.LBB2_1:
0x12: {  	[tilespmem:s3], [sflag:$0x2] =	stream.linear.gather [hbm4b:s5+s3], $0x2800, $0x38;
	[tilespmem:$0x1D000] =	vst v63  }
0x13: {  	_ =	swait.ge [sflag:s14], $0x2800  }
0x14: {  	[sflag:s14] =	ssyncset.done $0x0  }
0x15: {  	[sflag:s14] =	ssyncadd.s32 $0xFFFFD800  }
0x16: {  	[tilespmem:s15], [sflag:$0x2] =	stream.linear.gather [hbm4b:s6+s3], $0x2800, $0x38;
	[tilespmem:$0x1D000] =	vst v63  }
0x17: {  	_ =	swait.ge [sflag:s14], $0x2800  }
0x18: {  	[sflag:s14] =	ssyncset.done $0x0  }
0x19: {  	s22 =	simm.s32 $0x0;
	s23 =	simm.s32 $0x200;
	[sflag:s14] =	ssyncadd.s32 $0xFFFFD800  }
.LBB2_2:
0x1a: {  	p0 =	sne.s32 s23, $0xFE00;
	[tilespmem:s22+$0x5070] =	vst v0  }
0x1b: {  	[tilespmem:s22+$0x5000] =	vst v0  }
0x1c: {  	[tilespmem:s22+$0x5010] =	vst v0  }
.Ltmp0:
0x1d: {  	[tilespmem:s22+$0x5020] =	vst v0;
	(pc) =	sbr.rel @p0 .LBB2_2-.Ltmp0, $4  }
0x1e: {  	[tilespmem:s22+$0x5030] =	vst v0  }
0x1f: {  	[tilespmem:s22+$0x5040] =	vst v0  }
0x20: {  	[tilespmem:s22+$0x5050] =	vst v0  }
0x21: {  	[tilespmem:s22+$0x5060] =	vst v0;
	s22 =	sshra.s32 s23, $0x2;
	s23 =	sadd.s32 $0x200, s23  }
0x22: {  	[tilespmem:s22+$0x5070] =	vst v0  }
0x23: {  	[tilespmem:s22+$0x5000] =	vst v0  }
0x24: {  	[tilespmem:s22+$0x5010] =	vst v0  }
0x25: {  	[tilespmem:s22+$0x5020] =	vst v0  }
0x26: {  	[tilespmem:s22+$0x5030] =	vst v0  }
0x27: {  	[tilespmem:s22+$0x5040] =	vst v0  }
0x28: {  	[tilespmem:s22+$0x5050] =	vst v0  }
0x29: {  	[tilespmem:s22+$0x5060] =	vst v0  }
0x2a: {  	[spmem:s7] =	stream.linear.scatter [tilespmem:s16], [sflag:$0x2], $0x4000, $0x38;
	[tilespmem:$0x1D000] =	vst v63  }
0x2b: {  	_ =	swait.ge [sflag:s14], $0x4000  }
0x2c: {  	[sflag:s14] =	ssyncset.done $0x0  }
0x2d: {  	[sflag:s14] =	ssyncadd.s32 $0xFFFFC000  }
0x2e: {  	[spmem:s8] =	stream.linear.scatter [tilespmem:s16], [sflag:$0x2], $0x4000, $0x38;
	[tilespmem:$0x1D000] =	vst v63  }
0x2f: {  	_ =	swait.ge [sflag:s14], $0x4000  }
0x30: {  	[sflag:s14] =	ssyncset.done $0x0  }
0x31: {  	[sflag:s14] =	ssyncadd.s32 $0xFFFFC000  }
0x32: {  	[spmem:s9] =	stream.linear.scatter [tilespmem:s16], [sflag:$0x2], $0x4000, $0x38;
	[tilespmem:$0x1D000] =	vst v63  }
0x33: {  	_ =	swait.ge [sflag:s14], $0x4000  }
0x34: {  	[sflag:s14] =	ssyncset.done $0x0  }
0x35: {  	[sflag:s14] =	ssyncadd.s32 $0xFFFFC000  }
0x36: {  	[spmem:s10] =	stream.linear.scatter [tilespmem:s16], [sflag:$0x2], $0x4000, $0x38;
	[tilespmem:$0x1D000] =	vst v63  }
0x37: {  	_ =	swait.ge [sflag:s14], $0x4000  }
0x38: {  	[sflag:s14] =	ssyncset.done $0x0  }
0x39: {  	[sflag:s14] =	ssyncadd.s32 $0xFFFFC000  }
0x3a: {  	[spmem:s11] =	stream.linear.scatter [tilespmem:s16], [sflag:$0x2], $0x4000, $0x38;
	[tilespmem:$0x1D000] =	vst v63  }
0x3b: {  	_ =	swait.ge [sflag:s14], $0x4000  }
0x3c: {  	[sflag:s14] =	ssyncset.done $0x0  }
0x3d: {  	[sflag:s14] =	ssyncadd.s32 $0xFFFFC000  }
0x3e: {  	s30 =	simm.s32 $0x0;
	[bflag:$0x0] =	sbarrier.arrive $0xFFFF  }
0x3f: {  	[tilespmem:s16], [sflag:$0x1] =	stream.indirect.gather [hbm4b:s4+s17], $0x80, s30, s17, $0xb8;
	[tilespmem:$0x1D000] =	vst v63  }
0x40: {  	_ =	swait.ge [sflag:s18], $0x4000  }
0x41: {  	[sflag:s18] =	ssyncset.done $0x0  }
0x42: {  	s31 =	simm.s32 $0x2800;
	[sflag:s18] =	ssyncadd.s32 $0xFFFFC000  }
0x43: {  	[spmem:s1] =	stream.indirect.scatter.add.f32 [tilespmem:s16], [sflag:$0x2], $0x80, s31, s17, $0xb8;
	[tilespmem:$0x1D000] =	vst v63  }
0x44: {  	_ =	swait.ge [sflag:s14], $0x4000  }
0x45: {  	s22 =	simm.s32 $0x200;
	s23 =	simm.s32 $0x400;
	[sflag:s14] =	ssyncset.done $0x0  }
.LBB2_4:
0x46: {  	s24 =	sshra.s32 s22, $0x2  }
0x47: {  	[sflag:s14] =	ssyncadd.s32 $0xFFFFC000;
	s22 =	smov.u32 s23;
	s25 =	sadd.s32 $0x200, s23  }
0x48: {  	[tilespmem:s16], [sflag:$0x1] =	stream.indirect.gather [hbm4b:s4+s17], $0x80, s24, s17, $0xb8;
	[tilespmem:$0x1D000] =	vst v63  }
0x49: {  	p0 =	sne.s32 s23, $0x9E00;
	_ =	swait.ge [sflag:s18], $0x4000  }
.Ltmp1:
0x4a: {  	[sflag:s18] =	ssyncset.done $0x0;
	(pc) =	sbr.rel @p0 .LBB2_4-.Ltmp1, $4  }
0x4b: {  	s23 =	sadd.s32 $0x2800, s24;
	[sflag:s18] =	ssyncadd.s32 $0xFFFFC000  }
0x4c: {  	[spmem:s1] =	stream.indirect.scatter.add.f32 [tilespmem:s16], [sflag:$0x2], $0x80, s23, s17, $0xb8;
	[tilespmem:$0x1D000] =	vst v63  }
0x4d: {  	_ =	swait.ge [sflag:s14], $0x4000  }
0x4e: {  	s23 =	smov.u32 s25;
	[sflag:s14] =	ssyncset.done $0x0  }
0x4f: {  	s22 =	sshra.s32 s22, $0x2;
	[sflag:s14] =	ssyncadd.s32 $0xFFFFC000  }
0x50: {  	[tilespmem:s16], [sflag:$0x1] =	stream.indirect.gather [hbm4b:s4+s17], $0x80, s22, s17, $0xb8;
	[tilespmem:$0x1D000] =	vst v63  }
0x51: {  	_ =	swait.ge [sflag:s18], $0x4000  }
0x52: {  	[sflag:s18] =	ssyncset.done $0x0  }
0x53: {  	s22 =	sadd.s32 $0x2800, s22;
	[sflag:s18] =	ssyncadd.s32 $0xFFFFC000  }
0x54: {  	[spmem:s1] =	stream.indirect.scatter.add.f32 [tilespmem:s16], [sflag:$0x2], $0x80, s22, s17, $0xb8;
	[tilespmem:$0x1D000] =	vst v63  }
0x55: {  	_ =	swait.ge [sflag:s14], $0x4000  }
0x56: {  	s21 =	sadd.s32 $0x1, s21;
	[sflag:s14] =	ssyncset.done $0x0  }
0x57: {  	p0 =	sne.s32 s21, s13;
	[sflag:s14] =	ssyncadd.s32 $0xFFFFC000  }
.Ltmp2:
0x58: {  	[bflag:$0x0] =	sbarrier.arrive $0xFFFF;
	(pc) =	sbr.rel @p0 .LBB2_1-.Ltmp2, $4  }
0x59: {  	[hbm:s12], [sflag:s19] =	dma.local [spmem:s20], $0x2800  }
0x5a: {  	_ =	swait.ge [sflag:s14], $0x2800  }
0x5b: {  	[sflag:s14] =	ssyncset.done $0x0  }
0x5c: {  	[sflag:s14] =	ssyncadd.s32 $0xFFFFD800  }
0x5d: {  	_ =	sfence.sel $0x180000  }
0x5e: {  	[bflag:$0x0] =	sbarrier.arrive $0xFFFF  }
0x5f: {  	p0 =	sne.s32 s2, $0x0;
	_ =	strace $0x9000004A  }
0x60: {  	s0 =	sadd.s32 @!p0 $0x100000, s0;
	[bflag:$0x2] =	sbarrier.arrive $0xFFFF  }
0x61: {  	[sflag:s0] =	ssyncadd.tile.s32 @!p0 $0x1;
	_ =	shalt  }
.Lfunc_end2:
_tile_overlayer_lowered:
.L_overlay_start_2:
0x62: {  	(tag) =	ssettag $0x2  }
0x63: {  	s0 =	rddreg [dreg:$0x0];
	s2 =	stileid.u32  }
0x64: {  	s1 =	rddreg [dreg:$0x1];
	p0 =	sne.s32 s2, $0x0  }
0x65: {  	s3 =	rddreg [dreg:$0x2];
	[bflag:$0x3] =	sbarrier.arrive $0xFFFF;
	s2 =	simm.s32 @!p0 $0x1C02  }
0x66: {  	[timem:s3], [sflag:s2] =	dma.local @!p0 [hbm:s0], s1  }
0x67: {  	s0 =	simm.s32 @!p0 $0x2  }
0x68: {  	_ =	swait.ge @!p0 [sflag:s0], s1  }
0x69: {  	s1 =	ssub.s32 @!p0 $0x0, s1;
	[sflag:s0] =	ssyncset.done @!p0 $0x0  }
0x6a: {  	[sflag:s0] =	ssyncadd.s32 @!p0 s1  }
0x6b: {  	[bflag:$0x3] =	sbarrier.arrive $0xFFFF  }
0x6c: {  	_ =	shalt  }

// kernel: kernel.14.cloned.1.call-start
scs
__scs_entry_jumppad:
0x0: {  	(pc) =	sbr.rel $0x88, $3  }
0x1: {  	(tag) =	ssettag $0x0;
	lr =	simm.s32 $0x1  }
0x2: {  	[smem:$0x3F9B] =	sst lr;
	_ =	strace $0xD0000000  }
0x3: {  	_ = 	snop  }
0x4: {  	_ = 	snop  }
0x5: {  	_ = 	snop  }
0x6: {  	_ = 	snop  }
0x7: {  	_ = 	snop  }
__scs_overlays_trampoline_lowered:
0x8: {  	[smem:$0x3FAA] =	sst s0  }
0x9: {  	[smem:$0x3FAB] =	sst s1  }
0xa: {  	[smem:$0x3FAC] =	sst s2  }
0xb: {  	[smem:$0x3FAD] =	sst s3  }
0xc: {  	[smem:$0x3FAE] =	sst s4  }
0xd: {  	[smem:$0x3FAF] =	sst s5  }
0xe: {  	[smem:$0x3FB0] =	sst s6  }
0xf: {  	[smem:$0x3FB1] =	sst s7  }
0x10: {  	[smem:$0x3FB2] =	sst s8  }
0x11: {  	[smem:$0x3FB3] =	sst s9;
	s0 =	simm.s32 @!p0 $0x0  }
0x12: {  	s1 =	sld [smem:$0x3F99];
	s0 =	simm.s32 @p0 $0x1  }
0x13: {  	[smem:$0x3FB4] =	sst s0;
	s0 =	simm.s32 @!p1 $0x0  }
0x14: {  	s2 =	sld [smem:$0x3F98];
	s0 =	simm.s32 @p1 $0x1  }
0x15: {  	[smem:$0x3FB5] =	sst s0;
	s0 =	simm.s32 @!p2 $0x0  }
0x16: {  	s3 =	sld [smem:$0x3FDB];
	s0 =	simm.s32 @p2 $0x1  }
0x17: {  	s4 =	simm.s32 $0x1BF5;
	[smem:$0x3FB7] =	sst s0  }
0x18: {  	s0 =	sld [smem:$0x3F9A];
	_ =	swait.ge [sflag:s4], $0x0  }
0x19: {  	s7 =	sld [smem:$0x3F9B]  }
0x1a: {  	s8 =	sadd.s32 $0xFFFFE003, lr  }
0x1b: {  	s9 =	sadd.s32 $0xFFFFFEF7, lr;
	s5 =	simm.s32 $0xFFFFFFFF;
	p2 =	slt.u32 s8, $0xFFFFF086  }
0x1c: {  	p1 =	slt.u32 s9, $0xF7A;
	s5 =	simm.s32 @!p2 $0x0  }
0x1d: {  	s5 =	simm.s32 @p1 $0x1;
	p0 =	seq.s32 s7, s2  }
0x1e: {  	s7 =	smul.u32 @!p0 $0xF7A, s2;
	p2 =	seq.s32 @!p0 s5, $0x0  }
0x1f: {  	s9 =	smul.u32 $0xF7A, s1;
	s8 =	simm.s32 @!p0 $0x1BF5;
	p2 =	por !p2, p0  }
0x20: {  	[sflag:s8] =	ssyncset.s32 @!p0 $0xFFFFF086;
	s6 =	sadd.s32 @!p0 s3, s7;
	s7 =	simm.s32 @!p0 $0x108  }
0x21: {  	s3 =	sadd.s32 s3, s9;
	s6 =	sadd.s32 @!p0 $0x88, s6;
	s7 =	simm.s32 @p2 $0x1082  }
0x22: {  	[simem:s7], [sflag:s8] =	dma.local @!p0 [hbm:s6], $0xF7A  }
0x23: {  	s9 =	sor.u32 $0xD0000000, s2;
	s6 =	simm.s32 $0x108;
	_ =	swait.ge @!p0 [sflag:s8], $0x0  }
0x24: {  	s3 =	sadd.s32 $0x88, s3;
	s6 =	simm.s32 @!p1 $0x1082;
	[sflag:s4] =	ssyncset.s32 $0xFFFFF086  }
0x25: {  	[simem:s6], [sflag:s4] =	dma.local [hbm:s3], $0xF7A  }
0x26: {  	[smem:$0x3F9B] =	sst s1;
	(tag) =	ssettag s2;
	_ =	strace s9  }
0x27: {  	s1 =	sld [smem:$0x3FAB]  }
0x28: {  	s2 =	sld [smem:$0x3FAC]  }
0x29: {  	s4 =	sld [smem:$0x3FAE]  }
0x2a: {  	p0 =	seq.s32 s5, $0x0;
	s5 =	sld [smem:$0x3FAF]  }
0x2b: {  	s6 =	sld [smem:$0x3FB0]  }
0x2c: {  	s7 =	sld [smem:$0x3FB1]  }
0x2d: {  	s3 =	simm.s32 $0x108;
	s8 =	sld [smem:$0x3FB2]  }
0x2e: {  	s3 =	simm.s32 @!p0 $0x1082;
	s9 =	sld [smem:$0x3FB3]  }
0x2f: {  	lr =	sadd.s32 s0, s3;
	s0 =	sld [smem:$0x3FAA]  }
0x30: {  	s3 =	sld [smem:$0x3FAD]  }
0x31: {  	[smem:$0x3FB6] =	sst s10  }
0x32: {  	s10 =	sld [smem:$0x3FB4];
	_ =	sdelay $0x3  }
0x33: {  	p0 =	seq.s32 s10, $0x1;
	s10 =	sld [smem:$0x3FB6];
	_ =	sdelay $0x3  }
0x34: {  	[smem:$0x3FB6] =	sst s10  }
0x35: {  	s10 =	sld [smem:$0x3FB5];
	_ =	sdelay $0x3  }
0x36: {  	p1 =	seq.s32 s10, $0x1;
	s10 =	sld [smem:$0x3FB6];
	_ =	sdelay $0x3  }
0x37: {  	[smem:$0x3FB6] =	sst s10  }
0x38: {  	s10 =	sld [smem:$0x3FB7]  }
0x39: {  	_ = 	snop;
	(pc) =	sbr.ind lr, $3  }
0x3a: {  	_ = 	snop  }
0x3b: {  	_ = 	snop  }
0x3c: {  	p2 =	seq.s32 s10, $0x1;
	s10 =	sld [smem:$0x3FB6]  }
0x3d: {  	_ =	shalt  }
0x3e: {  	_ =	shalt  }
0x3f: {  	_ =	shalt  }
0x40: {  	_ =	shalt  }
0x41: {  	_ =	shalt  }
0x42: {  	_ =	shalt  }
0x43: {  	_ =	shalt  }
0x44: {  	_ =	shalt  }
0x45: {  	_ =	shalt  }
0x46: {  	_ =	shalt  }
0x47: {  	_ =	shalt  }
0x48: {  	_ =	shalt  }
0x49: {  	_ =	shalt  }
0x4a: {  	_ =	shalt  }
0x4b: {  	_ =	shalt  }
0x4c: {  	_ =	shalt  }
0x4d: {  	_ =	shalt  }
0x4e: {  	_ =	shalt  }
0x4f: {  	_ =	shalt  }
0x50: {  	_ =	shalt  }
0x51: {  	_ =	shalt  }
0x52: {  	_ =	shalt  }
0x53: {  	_ =	shalt  }
0x54: {  	_ =	shalt  }
0x55: {  	_ =	shalt  }
0x56: {  	_ =	shalt  }
0x57: {  	_ =	shalt  }
0x58: {  	_ =	shalt  }
0x59: {  	_ =	shalt  }
0x5a: {  	_ =	shalt  }
0x5b: {  	_ =	shalt  }
0x5c: {  	_ =	shalt  }
0x5d: {  	_ =	shalt  }
0x5e: {  	_ =	shalt  }
0x5f: {  	_ =	shalt  }
0x60: {  	_ =	shalt  }
0x61: {  	_ =	shalt  }
0x62: {  	_ =	shalt  }
0x63: {  	_ =	shalt  }
0x64: {  	_ =	shalt  }
0x65: {  	_ =	shalt  }
0x66: {  	_ =	shalt  }
0x67: {  	_ =	shalt  }
0x68: {  	_ =	shalt  }
0x69: {  	_ =	shalt  }
0x6a: {  	_ =	shalt  }
0x6b: {  	_ =	shalt  }
0x6c: {  	_ =	shalt  }
0x6d: {  	_ =	shalt  }
0x6e: {  	_ =	shalt  }
0x6f: {  	_ =	shalt  }
0x70: {  	_ =	shalt  }
0x71: {  	_ =	shalt  }
0x72: {  	_ =	shalt  }
0x73: {  	_ =	shalt  }
0x74: {  	_ =	shalt  }
0x75: {  	_ =	shalt  }
0x76: {  	_ =	shalt  }
0x77: {  	_ =	shalt  }
0x78: {  	_ =	shalt  }
0x79: {  	_ =	shalt  }
0x7a: {  	_ =	shalt  }
0x7b: {  	_ =	shalt  }
0x7c: {  	_ =	shalt  }
0x7d: {  	_ =	shalt  }
0x7e: {  	_ =	shalt  }
0x7f: {  	_ =	shalt  }
0x80: {  	_ =	shalt  }
0x81: {  	_ =	shalt  }
0x82: {  	_ =	shalt  }
0x83: {  	_ =	shalt  }
0x84: {  	_ =	shalt  }
0x85: {  	_ =	shalt  }
0x86: {  	_ =	shalt  }
0x87: {  	_ =	shalt  }
.Lfunc_end0:
.L_simem_size_0:
called_computation.2_lowered:
.L_overlay_start_0:
0x88: {  	s2 =	sld [smem:$0x3FD9]  }
0x89: {  	s3 =	sld [smem:$0x3FFE];
	_ =	sdelay $0x1  }
0x8a: {  	s1 =	srdreg.scid  }
0x8b: {  	s0 =	sand.u32 $0x1, s1  }
0x8c: {  	s14 =	sshll.u32 s0, $0xA;
	s2 =	sadd.s32 s3, s2  }
0x8d: {  	s2 =	sadd.s32 s2, s14  }
0x8e: {  	[smem:$0x3FC2] =	sst s2  }
0x8f: {  	_ = 	snop  }
0x90: {  	s2 =	sld [smem:$0x3FD0];
	_ =	sdelay $0x2  }
0x91: {  	s15 =	simm.s32 $0xA;
	s4 =	simm.s32 $0x10  }
0x92: {  	[smem:s4], [sflag:s15] =	dma.local [hbm:s2], $0x1  }
0x93: {  	_ =	swait.eq [sflag:s15], $0x1  }
0x94: {  	[sflag:s15] =	ssyncset.done $0x0  }
0x95: {  	s16 =	sld [smem:$0x11];
	[sflag:s15] =	ssyncadd.s32 $0xFFFFFFFF  }
0x96: {  	s17 =	sld [smem:$0x12];
	(tm) =	ssettm $0x1  }
0x97: {  	s18 =	sld [smem:$0x3FFB];
	_ =	sdelay $0x3  }
0x98: {  	_ =	strace s18  }
0x99: {  	s4 =	sld [smem:$0x3FFC];
	_ =	sdelay $0x3  }
0x9a: {  	_ =	strace s4  }
0x9b: {  	s4 =	sld [smem:$0x3FFD];
	_ =	sdelay $0x3  }
0x9c: {  	_ =	strace s4  }
0x9d: {  	_ =	strace $0x8FFFFFFF  }
0x9e: {  	s19 =	sld [smem:$0x3FDB];
	_ =	sdelay $0x1  }
0x9f: {  	s5 =	simm.s32 $_scs_section_size  }
0xa0: {  	s6 =	simm.s32 $_size__tile_overlayer_lowered;
	s7 =	simm.s32 $_tile_overlayer_lowered  }
0xa1: {  	s22 =	simm.s32 $0x1BFF;
	s21 =	sshll.u32 s7, $0x1;
	s4 =	sadd.s32 s5, s19  }
0xa2: {  	s8 =	simm.s32 $0x0;
	s20 =	sshll.u32 s6, $0x1;
	s6 =	sadd.s32 s21, s4  }
0xa3: {  	[timem:s8], [sflag:s22] =	dma.local [hbm:s6], s20  }
0xa4: {  	_ =	swait.ge [sflag:s22], s20  }
0xa5: {  	s5 =	ssub.s32 $0x0, s20;
	[sflag:s22] =	ssyncset.done $0x0  }
0xa6: {  	[sflag:s22] =	ssyncadd.s32 s5;
	_ =	sdelay $0x1  }
0xa7: {  	s23 =	simm.s32 $0x1B8B  }
0xa8: {  	_ =	swait.ge [sflag:s23], $0x1  }
0xa9: {  	[sflag:s23] =	ssyncset.done $0x0  }
0xaa: {  	s25 =	simm.s32 $0x1B8E;
	s24 =	sld [smem:$0x3FFE];
	[sflag:s23] =	ssyncadd.s32 $0xFFFFFFFF  }
0xab: {  	s26 =	simm.s32 $execute0_lowered;
	[smem:$0x3FD2] =	sst s25  }
0xac: {  	s6 =	sshll.u32 s26, $0x1;
	_ =	strace $0x8000004C;
	[dreg:$0x1] =	wrdreg $0xFFFFFFFF  }
0xad: {  	s28 =	simm.s32 $_size_execute0_lowered;
	s4 =	sadd.s32 s4, s6;
	[dreg:$0x0] =	wrdreg $0x0  }
0xae: {  	s6 =	sshll.u32 s28, $0x1;
	[dreg:$0x2] =	wrdreg s4  }
0xaf: {  	[dreg:$0x3] =	wrdreg s6  }
0xb0: {  	[dreg:$0x4] =	wrdreg $0xC0  }
0xb1: {  	_ =	task [dreg:s8], $0x5FFFF  }
0xb2: {  	[dreg:$0x1] =	wrdreg $0xFFFFFFFF  }
0xb3: {  	[dreg:$0x0] =	wrdreg $0x60  }
0xb4: {  	[dreg:$0x2] =	wrdreg s24  }
0xb5: {  	[dreg:$0x3] =	wrdreg s16  }
0xb6: {  	[dreg:$0x4] =	wrdreg s17  }
0xb7: {  	[dreg:$0x5] =	wrdreg $0x90000  }
0xb8: {  	[dreg:$0x6] =	wrdreg $0x9  }
0xb9: {  	_ =	task.clear_ibuf [dreg:s8], $0x7FFFF;
	_ =	strace $0x9000004C  }
0xba: {  	s29 =	simm.s32 $0x9;
	_ =	strace $0x8000004E  }
0xbb: {  	_ =	swait.ge [sflag:s29], $0x1  }
0xbc: {  	[sflag:s29] =	ssyncadd.s32 $0xFFFFFFFF  }
0xbd: {  	_ =	strace $0x9000004E  }
0xbe: {  	_ =	sfence  }
0xbf: {  	s30 =	sld [smem:$0x0];
	_ =	sdelay $0x2  }
0xc0: {  	s31 =	sshll.u32 s1, $0xD;
	s1 =	sshrl.u32 s1, $0x2  }
0xc1: {  	s3 =	sand.u32 $0x4000, s31;
	s1 =	sadd.s32 s1, s30  }
0xc2: {  	s0 =	sor.u32 s3, s0;
	s1 =	sshll.u32 s1, $0x11  }
0xc3: {  	s0 =	sor.u32 s1, s0  }
0xc4: {  	s0 =	sadd.s32 $0x8F2B, s0  }
0xc5: {  	[sflag:s0] =	ssyncadd.remote.s32 $0x1  }
0xc6: {  	_ =	sfence.sel $0xFFFF  }
0xc7: {  	[dreg:$0x0] =	wrdreg $0xFFFFFFFF;
	(pc) =	sbr.abs _section_cstart, $3  }
0xc8: {  	[dreg:$0x1] =	wrdreg $0xFFFFFFFF  }
0xc9: {  	_ =	task.clear_ibuf [dreg:s8], $0x2FFFF;
	_ =	strace $0x9FFFFFFF  }
0xca: {  	(tm) =	ssettm $0x7FFFFFFF  }
0xcb: {  	_ =	shalt  }
tec
execute0_lowered:
.L_overlay_start_1:
0x0: {  	(tag) =	ssettag $0x1  }
0x1: {  	s5 =	rddreg [dreg:$0x0]  }
0x2: {  	s6 =	rddreg [dreg:$0x1]  }
0x3: {  	s7 =	rddreg [dreg:$0x2]  }
0x4: {  	s1 =	rddreg [dreg:$0x3]  }
0x5: {  	s2 =	srdreg.scid;
	s0 =	rddreg [dreg:$0x4];
	s3 =	simm.s32 $0x0  }
0x6: {  	s15 =	simm.s32 $0x2800;
	s16 =	simm.s32 $0x5000;
	s17 =	simm.s32 $0x80  }
0x7: {  	s18 =	simm.s32 $0x1;
	s8 =	sand.u32 $0x1, s2;
	s2 =	stileid.u32  }
0x8: {  	s21 =	simm.s32 $0x0;
	[smem:$0x7FF] =	sst s3;
	s9 =	smul.u32 $0x140000, s8  }
0x9: {  	s4 =	sadd.s32 $0x1C00, s5;
	s10 =	smul.u32 $0x14000, s2;
	_ =	strace $0x8000004D  }
0xa: {  	s30 =	sshll.u32 s8, $0x4;
	s8 =	ssub.s32 $0x2, s8;
	s11 =	smul.u32 $0x50000, s2  }
0xb: {  	s19 =	sshll.u32 s2, $0x6;
	s9 =	sadd.s32 s10, s9;
	s10 =	sor.u32 s2, s30  }
0xc: {  	s12 =	sshrl.u32 s8, $0x1;
	s19 =	sor.u32 $0x1C02, s19;
	s10 =	smul.u32 $0x500, s10  }
0xd: {  	s14 =	ssub.s32 s8, s12;
	s31 =	sshrl.u32 s11, $0x2;
	s9 =	sshrl.u32 s9, $0x3  }
0xe: {  	s13 =	sadd.s32 s9, s5;
	s5 =	sadd.s32 s6, s10;
	s6 =	sadd.s32 s7, s10  }
0xf: {  	s7 =	sadd.s32 s31, s1;
	s12 =	sadd.s32 $0x29C00, s13;
	s13 =	smax.u32 s14, $0x1  }
0x10: {  	s14 =	simm.s32 $0x2;
	s8 =	sadd.s32 $0x4000, s7;
	s9 =	sadd.s32 $0x8000, s7  }
0x11: {  	v0 =	vimm.f32 $0.0e+00;
	s10 =	sadd.s32 $0xC000, s7;
	s11 =	sadd.s32 $0x10000, s7;
	s20 =	sshrl.u32 s7, $0x3  }
.LBB2_1:
0x12: {  	[tilespmem:s3], [sflag:$0x2] =	stream.linear.gather [hbm4b:s5+s3], $0x2800, $0x38;
	[tilespmem:$0x1D000] =	vst v63  }
0x13: {  	_ =	swait.ge [sflag:s14], $0x2800  }
0x14: {  	[sflag:s14] =	ssyncset.done $0x0  }
0x15: {  	[sflag:s14] =	ssyncadd.s32 $0xFFFFD800  }
0x16: {  	[tilespmem:s15], [sflag:$0x2] =	stream.linear.gather [hbm4b:s6+s3], $0x2800, $0x38;
	[tilespmem:$0x1D000] =	vst v63  }
0x17: {  	_ =	swait.ge [sflag:s14], $0x2800  }
0x18: {  	[sflag:s14] =	ssyncset.done $0x0  }
0x19: {  	s22 =	simm.s32 $0x0;
	s23 =	simm.s32 $0x200;
	[sflag:s14] =	ssyncadd.s32 $0xFFFFD800  }
.LBB2_2:
0x1a: {  	p0 =	sne.s32 s23, $0xFE00;
	[tilespmem:s22+$0x5070] =	vst v0  }
0x1b: {  	[tilespmem:s22+$0x5000] =	vst v0  }
0x1c: {  	[tilespmem:s22+$0x5010] =	vst v0  }
.Ltmp0:
0x1d: {  	[tilespmem:s22+$0x5020] =	vst v0;
	(pc) =	sbr.rel @p0 .LBB2_2-.Ltmp0, $4  }
0x1e: {  	[tilespmem:s22+$0x5030] =	vst v0  }
0x1f: {  	[tilespmem:s22+$0x5040] =	vst v0  }
0x20: {  	[tilespmem:s22+$0x5050] =	vst v0  }
0x21: {  	[tilespmem:s22+$0x5060] =	vst v0;
	s22 =	sshra.s32 s23, $0x2;
	s23 =	sadd.s32 $0x200, s23  }
0x22: {  	[tilespmem:s22+$0x5070] =	vst v0  }
0x23: {  	[tilespmem:s22+$0x5000] =	vst v0  }
0x24: {  	[tilespmem:s22+$0x5010] =	vst v0  }
0x25: {  	[tilespmem:s22+$0x5020] =	vst v0  }
0x26: {  	[tilespmem:s22+$0x5030] =	vst v0  }
0x27: {  	[tilespmem:s22+$0x5040] =	vst v0  }
0x28: {  	[tilespmem:s22+$0x5050] =	vst v0  }
0x29: {  	[tilespmem:s22+$0x5060] =	vst v0  }
0x2a: {  	[spmem:s7] =	stream.linear.scatter [tilespmem:s16], [sflag:$0x2], $0x4000, $0x38;
	[tilespmem:$0x1D000] =	vst v63  }
0x2b: {  	_ =	swait.ge [sflag:s14], $0x4000  }
0x2c: {  	[sflag:s14] =	ssyncset.done $0x0  }
0x2d: {  	[sflag:s14] =	ssyncadd.s32 $0xFFFFC000  }
0x2e: {  	[spmem:s8] =	stream.linear.scatter [tilespmem:s16], [sflag:$0x2], $0x4000, $0x38;
	[tilespmem:$0x1D000] =	vst v63  }
0x2f: {  	_ =	swait.ge [sflag:s14], $0x4000  }
0x30: {  	[sflag:s14] =	ssyncset.done $0x0  }
0x31: {  	[sflag:s14] =	ssyncadd.s32 $0xFFFFC000  }
0x32: {  	[spmem:s9] =	stream.linear.scatter [tilespmem:s16], [sflag:$0x2], $0x4000, $0x38;
	[tilespmem:$0x1D000] =	vst v63  }
0x33: {  	_ =	swait.ge [sflag:s14], $0x4000  }
0x34: {  	[sflag:s14] =	ssyncset.done $0x0  }
0x35: {  	[sflag:s14] =	ssyncadd.s32 $0xFFFFC000  }
0x36: {  	[spmem:s10] =	stream.linear.scatter [tilespmem:s16], [sflag:$0x2], $0x4000, $0x38;
	[tilespmem:$0x1D000] =	vst v63  }
0x37: {  	_ =	swait.ge [sflag:s14], $0x4000  }
0x38: {  	[sflag:s14] =	ssyncset.done $0x0  }
0x39: {  	[sflag:s14] =	ssyncadd.s32 $0xFFFFC000  }
0x3a: {  	[spmem:s11] =	stream.linear.scatter [tilespmem:s16], [sflag:$0x2], $0x4000, $0x38;
	[tilespmem:$0x1D000] =	vst v63  }
0x3b: {  	_ =	swait.ge [sflag:s14], $0x4000  }
0x3c: {  	[sflag:s14] =	ssyncset.done $0x0  }
0x3d: {  	[sflag:s14] =	ssyncadd.s32 $0xFFFFC000  }
0x3e: {  	s30 =	simm.s32 $0x0;
	[bflag:$0x0] =	sbarrier.arrive $0xFFFF  }
0x3f: {  	[tilespmem:s16], [sflag:$0x1] =	stream.indirect.gather [hbm4b:s4+s17], $0x80, s30, s17, $0xb8;
	[tilespmem:$0x1D000] =	vst v63  }
0x40: {  	_ =	swait.ge [sflag:s18], $0x4000  }
0x41: {  	[sflag:s18] =	ssyncset.done $0x0  }
0x42: {  	s31 =	simm.s32 $0x2800;
	[sflag:s18] =	ssyncadd.s32 $0xFFFFC000  }
0x43: {  	[spmem:s1] =	stream.indirect.scatter.add.f32 [tilespmem:s16], [sflag:$0x2], $0x80, s31, s17, $0xb8;
	[tilespmem:$0x1D000] =	vst v63  }
0x44: {  	_ =	swait.ge [sflag:s14], $0x4000  }
0x45: {  	s22 =	simm.s32 $0x200;
	s23 =	simm.s32 $0x400;
	[sflag:s14] =	ssyncset.done $0x0  }
.LBB2_4:
0x46: {  	s24 =	sshra.s32 s22, $0x2  }
0x47: {  	[sflag:s14] =	ssyncadd.s32 $0xFFFFC000;
	s22 =	smov.u32 s23;
	s25 =	sadd.s32 $0x200, s23  }
0x48: {  	[tilespmem:s16], [sflag:$0x1] =	stream.indirect.gather [hbm4b:s4+s17], $0x80, s24, s17, $0xb8;
	[tilespmem:$0x1D000] =	vst v63  }
0x49: {  	p0 =	sne.s32 s23, $0x9E00;
	_ =	swait.ge [sflag:s18], $0x4000  }
.Ltmp1:
0x4a: {  	[sflag:s18] =	ssyncset.done $0x0;
	(pc) =	sbr.rel @p0 .LBB2_4-.Ltmp1, $4  }
0x4b: {  	s23 =	sadd.s32 $0x2800, s24;
	[sflag:s18] =	ssyncadd.s32 $0xFFFFC000  }
0x4c: {  	[spmem:s1] =	stream.indirect.scatter.add.f32 [tilespmem:s16], [sflag:$0x2], $0x80, s23, s17, $0xb8;
	[tilespmem:$0x1D000] =	vst v63  }
0x4d: {  	_ =	swait.ge [sflag:s14], $0x4000  }
0x4e: {  	s23 =	smov.u32 s25;
	[sflag:s14] =	ssyncset.done $0x0  }
0x4f: {  	s22 =	sshra.s32 s22, $0x2;
	[sflag:s14] =	ssyncadd.s32 $0xFFFFC000  }
0x50: {  	[tilespmem:s16], [sflag:$0x1] =	stream.indirect.gather [hbm4b:s4+s17], $0x80, s22, s17, $0xb8;
	[tilespmem:$0x1D000] =	vst v63  }
0x51: {  	_ =	swait.ge [sflag:s18], $0x4000  }
0x52: {  	[sflag:s18] =	ssyncset.done $0x0  }
0x53: {  	s22 =	sadd.s32 $0x2800, s22;
	[sflag:s18] =	ssyncadd.s32 $0xFFFFC000  }
0x54: {  	[spmem:s1] =	stream.indirect.scatter.add.f32 [tilespmem:s16], [sflag:$0x2], $0x80, s22, s17, $0xb8;
	[tilespmem:$0x1D000] =	vst v63  }
0x55: {  	_ =	swait.ge [sflag:s14], $0x4000  }
0x56: {  	s21 =	sadd.s32 $0x1, s21;
	[sflag:s14] =	ssyncset.done $0x0  }
0x57: {  	p0 =	sne.s32 s21, s13;
	[sflag:s14] =	ssyncadd.s32 $0xFFFFC000  }
.Ltmp2:
0x58: {  	[bflag:$0x0] =	sbarrier.arrive $0xFFFF;
	(pc) =	sbr.rel @p0 .LBB2_1-.Ltmp2, $4  }
0x59: {  	[hbm:s12], [sflag:s19] =	dma.local [spmem:s20], $0x2800  }
0x5a: {  	_ =	swait.ge [sflag:s14], $0x2800  }
0x5b: {  	[sflag:s14] =	ssyncset.done $0x0  }
0x5c: {  	[sflag:s14] =	ssyncadd.s32 $0xFFFFD800  }
0x5d: {  	_ =	sfence.sel $0x180000  }
0x5e: {  	[bflag:$0x0] =	sbarrier.arrive $0xFFFF  }
0x5f: {  	p0 =	sne.s32 s2, $0x0;
	_ =	strace $0x9000004D  }
0x60: {  	s0 =	sadd.s32 @!p0 $0x100000, s0;
	[bflag:$0x2] =	sbarrier.arrive $0xFFFF  }
0x61: {  	[sflag:s0] =	ssyncadd.tile.s32 @!p0 $0x1;
	_ =	shalt  }
.Lfunc_end2:
_tile_overlayer_lowered:
.L_overlay_start_2:
0x62: {  	(tag) =	ssettag $0x2  }
0x63: {  	s0 =	rddreg [dreg:$0x0];
	s2 =	stileid.u32  }
0x64: {  	s1 =	rddreg [dreg:$0x1];
	p0 =	sne.s32 s2, $0x0  }
0x65: {  	s3 =	rddreg [dreg:$0x2];
	[bflag:$0x3] =	sbarrier.arrive $0xFFFF;
	s2 =	simm.s32 @!p0 $0x1C02  }
0x66: {  	[timem:s3], [sflag:s2] =	dma.local @!p0 [hbm:s0], s1  }
0x67: {  	s0 =	simm.s32 @!p0 $0x2  }
0x68: {  	_ =	swait.ge @!p0 [sflag:s0], s1  }
0x69: {  	s1 =	ssub.s32 @!p0 $0x0, s1;
	[sflag:s0] =	ssyncset.done @!p0 $0x0  }
0x6a: {  	[sflag:s0] =	ssyncadd.s32 @!p0 s1  }
0x6b: {  	[bflag:$0x3] =	sbarrier.arrive $0xFFFF  }
0x6c: {  	_ =	shalt  }

// kernel: kernel.8.cloned.1.call-start
scs
__scs_entry_jumppad:
0x0: {  	(pc) =	sbr.rel $0x88, $3  }
0x1: {  	(tag) =	ssettag $0x0;
	lr =	simm.s32 $0x1  }
0x2: {  	[smem:$0x3F9B] =	sst lr;
	_ =	strace $0xD0000000  }
0x3: {  	_ = 	snop  }
0x4: {  	_ = 	snop  }
0x5: {  	_ = 	snop  }
0x6: {  	_ = 	snop  }
0x7: {  	_ = 	snop  }
__scs_overlays_trampoline_lowered:
0x8: {  	[smem:$0x3FAA] =	sst s0  }
0x9: {  	[smem:$0x3FAB] =	sst s1  }
0xa: {  	[smem:$0x3FAC] =	sst s2  }
0xb: {  	[smem:$0x3FAD] =	sst s3  }
0xc: {  	[smem:$0x3FAE] =	sst s4  }
0xd: {  	[smem:$0x3FAF] =	sst s5  }
0xe: {  	[smem:$0x3FB0] =	sst s6  }
0xf: {  	[smem:$0x3FB1] =	sst s7  }
0x10: {  	[smem:$0x3FB2] =	sst s8  }
0x11: {  	[smem:$0x3FB3] =	sst s9;
	s0 =	simm.s32 @!p0 $0x0  }
0x12: {  	s1 =	sld [smem:$0x3F99];
	s0 =	simm.s32 @p0 $0x1  }
0x13: {  	[smem:$0x3FB4] =	sst s0;
	s0 =	simm.s32 @!p1 $0x0  }
0x14: {  	s2 =	sld [smem:$0x3F98];
	s0 =	simm.s32 @p1 $0x1  }
0x15: {  	[smem:$0x3FB5] =	sst s0;
	s0 =	simm.s32 @!p2 $0x0  }
0x16: {  	s3 =	sld [smem:$0x3FDB];
	s0 =	simm.s32 @p2 $0x1  }
0x17: {  	s4 =	simm.s32 $0x1BF5;
	[smem:$0x3FB7] =	sst s0  }
0x18: {  	s0 =	sld [smem:$0x3F9A];
	_ =	swait.ge [sflag:s4], $0x0  }
0x19: {  	s7 =	sld [smem:$0x3F9B]  }
0x1a: {  	s8 =	sadd.s32 $0xFFFFE003, lr  }
0x1b: {  	s9 =	sadd.s32 $0xFFFFFEF7, lr;
	s5 =	simm.s32 $0xFFFFFFFF;
	p2 =	slt.u32 s8, $0xFFFFF086  }
0x1c: {  	p1 =	slt.u32 s9, $0xF7A;
	s5 =	simm.s32 @!p2 $0x0  }
0x1d: {  	s5 =	simm.s32 @p1 $0x1;
	p0 =	seq.s32 s7, s2  }
0x1e: {  	s7 =	smul.u32 @!p0 $0xF7A, s2;
	p2 =	seq.s32 @!p0 s5, $0x0  }
0x1f: {  	s9 =	smul.u32 $0xF7A, s1;
	s8 =	simm.s32 @!p0 $0x1BF5;
	p2 =	por !p2, p0  }
0x20: {  	[sflag:s8] =	ssyncset.s32 @!p0 $0xFFFFF086;
	s6 =	sadd.s32 @!p0 s3, s7;
	s7 =	simm.s32 @!p0 $0x108  }
0x21: {  	s3 =	sadd.s32 s3, s9;
	s6 =	sadd.s32 @!p0 $0x88, s6;
	s7 =	simm.s32 @p2 $0x1082  }
0x22: {  	[simem:s7], [sflag:s8] =	dma.local @!p0 [hbm:s6], $0xF7A  }
0x23: {  	s9 =	sor.u32 $0xD0000000, s2;
	s6 =	simm.s32 $0x108;
	_ =	swait.ge @!p0 [sflag:s8], $0x0  }
0x24: {  	s3 =	sadd.s32 $0x88, s3;
	s6 =	simm.s32 @!p1 $0x1082;
	[sflag:s4] =	ssyncset.s32 $0xFFFFF086  }
0x25: {  	[simem:s6], [sflag:s4] =	dma.local [hbm:s3], $0xF7A  }
0x26: {  	[smem:$0x3F9B] =	sst s1;
	(tag) =	ssettag s2;
	_ =	strace s9  }
0x27: {  	s1 =	sld [smem:$0x3FAB]  }
0x28: {  	s2 =	sld [smem:$0x3FAC]  }
0x29: {  	s4 =	sld [smem:$0x3FAE]  }
0x2a: {  	p0 =	seq.s32 s5, $0x0;
	s5 =	sld [smem:$0x3FAF]  }
0x2b: {  	s6 =	sld [smem:$0x3FB0]  }
0x2c: {  	s7 =	sld [smem:$0x3FB1]  }
0x2d: {  	s3 =	simm.s32 $0x108;
	s8 =	sld [smem:$0x3FB2]  }
0x2e: {  	s3 =	simm.s32 @!p0 $0x1082;
	s9 =	sld [smem:$0x3FB3]  }
0x2f: {  	lr =	sadd.s32 s0, s3;
	s0 =	sld [smem:$0x3FAA]  }
0x30: {  	s3 =	sld [smem:$0x3FAD]  }
0x31: {  	[smem:$0x3FB6] =	sst s10  }
0x32: {  	s10 =	sld [smem:$0x3FB4];
	_ =	sdelay $0x3  }
0x33: {  	p0 =	seq.s32 s10, $0x1;
	s10 =	sld [smem:$0x3FB6];
	_ =	sdelay $0x3  }
0x34: {  	[smem:$0x3FB6] =	sst s10  }
0x35: {  	s10 =	sld [smem:$0x3FB5];
	_ =	sdelay $0x3  }
0x36: {  	p1 =	seq.s32 s10, $0x1;
	s10 =	sld [smem:$0x3FB6];
	_ =	sdelay $0x3  }
0x37: {  	[smem:$0x3FB6] =	sst s10  }
0x38: {  	s10 =	sld [smem:$0x3FB7]  }
0x39: {  	_ = 	snop;
	(pc) =	sbr.ind lr, $3  }
0x3a: {  	_ = 	snop  }
0x3b: {  	_ = 	snop  }
0x3c: {  	p2 =	seq.s32 s10, $0x1;
	s10 =	sld [smem:$0x3FB6]  }
0x3d: {  	_ =	shalt  }
0x3e: {  	_ =	shalt  }
0x3f: {  	_ =	shalt  }
0x40: {  	_ =	shalt  }
0x41: {  	_ =	shalt  }
0x42: {  	_ =	shalt  }
0x43: {  	_ =	shalt  }
0x44: {  	_ =	shalt  }
0x45: {  	_ =	shalt  }
0x46: {  	_ =	shalt  }
0x47: {  	_ =	shalt  }
0x48: {  	_ =	shalt  }
0x49: {  	_ =	shalt  }
0x4a: {  	_ =	shalt  }
0x4b: {  	_ =	shalt  }
0x4c: {  	_ =	shalt  }
0x4d: {  	_ =	shalt  }
0x4e: {  	_ =	shalt  }
0x4f: {  	_ =	shalt  }
0x50: {  	_ =	shalt  }
0x51: {  	_ =	shalt  }
0x52: {  	_ =	shalt  }
0x53: {  	_ =	shalt  }
0x54: {  	_ =	shalt  }
0x55: {  	_ =	shalt  }
0x56: {  	_ =	shalt  }
0x57: {  	_ =	shalt  }
0x58: {  	_ =	shalt  }
0x59: {  	_ =	shalt  }
0x5a: {  	_ =	shalt  }
0x5b: {  	_ =	shalt  }
0x5c: {  	_ =	shalt  }
0x5d: {  	_ =	shalt  }
0x5e: {  	_ =	shalt  }
0x5f: {  	_ =	shalt  }
0x60: {  	_ =	shalt  }
0x61: {  	_ =	shalt  }
0x62: {  	_ =	shalt  }
0x63: {  	_ =	shalt  }
0x64: {  	_ =	shalt  }
0x65: {  	_ =	shalt  }
0x66: {  	_ =	shalt  }
0x67: {  	_ =	shalt  }
0x68: {  	_ =	shalt  }
0x69: {  	_ =	shalt  }
0x6a: {  	_ =	shalt  }
0x6b: {  	_ =	shalt  }
0x6c: {  	_ =	shalt  }
0x6d: {  	_ =	shalt  }
0x6e: {  	_ =	shalt  }
0x6f: {  	_ =	shalt  }
0x70: {  	_ =	shalt  }
0x71: {  	_ =	shalt  }
0x72: {  	_ =	shalt  }
0x73: {  	_ =	shalt  }
0x74: {  	_ =	shalt  }
0x75: {  	_ =	shalt  }
0x76: {  	_ =	shalt  }
0x77: {  	_ =	shalt  }
0x78: {  	_ =	shalt  }
0x79: {  	_ =	shalt  }
0x7a: {  	_ =	shalt  }
0x7b: {  	_ =	shalt  }
0x7c: {  	_ =	shalt  }
0x7d: {  	_ =	shalt  }
0x7e: {  	_ =	shalt  }
0x7f: {  	_ =	shalt  }
0x80: {  	_ =	shalt  }
0x81: {  	_ =	shalt  }
0x82: {  	_ =	shalt  }
0x83: {  	_ =	shalt  }
0x84: {  	_ =	shalt  }
0x85: {  	_ =	shalt  }
0x86: {  	_ =	shalt  }
0x87: {  	_ =	shalt  }
.Lfunc_end0:
.L_simem_size_0:
called_computation_lowered:
.L_overlay_start_0:
0x88: {  	s2 =	sld [smem:$0x3FD9]  }
0x89: {  	s3 =	sld [smem:$0x3FFE];
	_ =	sdelay $0x1  }
0x8a: {  	s1 =	srdreg.scid  }
0x8b: {  	s0 =	sand.u32 $0x1, s1  }
0x8c: {  	s14 =	sshll.u32 s0, $0xA;
	s2 =	sadd.s32 s3, s2  }
0x8d: {  	s2 =	sadd.s32 s2, s14  }
0x8e: {  	[smem:$0x3FC2] =	sst s2  }
0x8f: {  	_ = 	snop  }
0x90: {  	s2 =	sld [smem:$0x3FD0];
	_ =	sdelay $0x2  }
0x91: {  	s15 =	simm.s32 $0xA;
	s4 =	simm.s32 $0x10  }
0x92: {  	[smem:s4], [sflag:s15] =	dma.local [hbm:s2], $0x1  }
0x93: {  	_ =	swait.eq [sflag:s15], $0x1  }
0x94: {  	[sflag:s15] =	ssyncset.done $0x0  }
0x95: {  	[sflag:s15] =	ssyncadd.s32 $0xFFFFFFFF  }
0x96: {  	s16 =	sld [smem:$0x12];
	(tm) =	ssettm $0x1  }
0x97: {  	s17 =	sld [smem:$0x3FFB];
	_ =	sdelay $0x3  }
0x98: {  	_ =	strace s17  }
0x99: {  	s3 =	sld [smem:$0x3FFC];
	_ =	sdelay $0x3  }
0x9a: {  	_ =	strace s3  }
0x9b: {  	s3 =	sld [smem:$0x3FFD];
	_ =	sdelay $0x3  }
0x9c: {  	_ =	strace s3  }
0x9d: {  	_ =	strace $0x8FFFFFFF  }
0x9e: {  	s18 =	sld [smem:$0x3FDB];
	_ =	sdelay $0x1  }
0x9f: {  	s19 =	simm.s32 $_scs_section_size  }
0xa0: {  	s5 =	simm.s32 $_size__tile_overlayer_lowered;
	s6 =	simm.s32 $_tile_overlayer_lowered  }
0xa1: {  	s22 =	simm.s32 $0x1BFF;
	s21 =	sshll.u32 s6, $0x1;
	s3 =	sadd.s32 s19, s18  }
0xa2: {  	s7 =	simm.s32 $0x0;
	s20 =	sshll.u32 s5, $0x1;
	s5 =	sadd.s32 s21, s3  }
0xa3: {  	[timem:s7], [sflag:s22] =	dma.local [hbm:s5], s20  }
0xa4: {  	_ =	swait.ge [sflag:s22], s20  }
0xa5: {  	s4 =	ssub.s32 $0x0, s20;
	[sflag:s22] =	ssyncset.done $0x0  }
0xa6: {  	[sflag:s22] =	ssyncadd.s32 s4;
	_ =	sdelay $0x1  }
0xa7: {  	s23 =	simm.s32 $0x1B8B  }
0xa8: {  	_ =	swait.ge [sflag:s23], $0x1  }
0xa9: {  	[sflag:s23] =	ssyncset.done $0x0  }
0xaa: {  	s25 =	simm.s32 $0x1B8E;
	s24 =	sld [smem:$0x3FFE];
	[sflag:s23] =	ssyncadd.s32 $0xFFFFFFFF  }
0xab: {  	s26 =	simm.s32 $execute0_lowered;
	[smem:$0x3FD2] =	sst s25  }
0xac: {  	s5 =	sshll.u32 s26, $0x1;
	_ =	strace $0x80000046;
	[dreg:$0x1] =	wrdreg $0xFFFFFFFF  }
0xad: {  	s28 =	simm.s32 $_size_execute0_lowered;
	s3 =	sadd.s32 s3, s5;
	[dreg:$0x0] =	wrdreg $0x0  }
0xae: {  	s5 =	sshll.u32 s28, $0x1;
	[dreg:$0x2] =	wrdreg s3  }
0xaf: {  	[dreg:$0x3] =	wrdreg s5  }
0xb0: {  	[dreg:$0x4] =	wrdreg $0xC0  }
0xb1: {  	_ =	task [dreg:s7], $0x5FFFF  }
0xb2: {  	[dreg:$0x1] =	wrdreg $0xFFFFFFFF  }
0xb3: {  	[dreg:$0x0] =	wrdreg $0x60  }
0xb4: {  	[dreg:$0x2] =	wrdreg s16  }
0xb5: {  	[dreg:$0x3] =	wrdreg s24  }
0xb6: {  	[dreg:$0x4] =	wrdreg $0x68000  }
0xb7: {  	[dreg:$0x5] =	wrdreg $0x9  }
0xb8: {  	_ =	task.clear_ibuf [dreg:s7], $0x6FFFF;
	_ =	strace $0x90000046  }
0xb9: {  	s29 =	simm.s32 $0x9;
	_ =	strace $0x80000048  }
0xba: {  	_ =	swait.ge [sflag:s29], $0x1  }
0xbb: {  	[sflag:s29] =	ssyncadd.s32 $0xFFFFFFFF  }
0xbc: {  	_ =	strace $0x90000048  }
0xbd: {  	_ =	sfence  }
0xbe: {  	s30 =	sld [smem:$0x0];
	_ =	sdelay $0x2  }
0xbf: {  	s31 =	sshll.u32 s1, $0xD;
	s1 =	sshrl.u32 s1, $0x2  }
0xc0: {  	s3 =	sand.u32 $0x4000, s31;
	s1 =	sadd.s32 s1, s30  }
0xc1: {  	s0 =	sor.u32 s3, s0;
	s1 =	sshll.u32 s1, $0x11  }
0xc2: {  	s0 =	sor.u32 s1, s0  }
0xc3: {  	s0 =	sadd.s32 $0x8F2B, s0  }
0xc4: {  	[sflag:s0] =	ssyncadd.remote.s32 $0x1  }
0xc5: {  	_ =	sfence.sel $0xFFFF  }
0xc6: {  	[dreg:$0x0] =	wrdreg $0xFFFFFFFF;
	(pc) =	sbr.abs _section_cstart, $3  }
0xc7: {  	[dreg:$0x1] =	wrdreg $0xFFFFFFFF  }
0xc8: {  	_ =	task.clear_ibuf [dreg:s7], $0x2FFFF;
	_ =	strace $0x9FFFFFFF  }
0xc9: {  	(tm) =	ssettm $0x7FFFFFFF  }
tec
execute0_lowered:
.L_overlay_start_1:
0x0: {  	(tag) =	ssettag $0x1  }
0x1: {  	s5 =	rddreg [dreg:$0x0]  }
0x2: {  	s4 =	rddreg [dreg:$0x1];
	s0 =	srdreg.scid  }
0x3: {  	s2 =	rddreg [dreg:$0x2];
	s1 =	stileid.u32  }
0x4: {  	s3 =	simm.s32 $0x0;
	s12 =	simm.s32 $0x1;
	s13 =	simm.s32 $0x2800  }
0x5: {  	s14 =	simm.s32 $0x80;
	s17 =	simm.s32 $0x0;
	s8 =	smul.u32 $0x14000, s1  }
0x6: {  	s6 =	sand.u32 $0x1, s0;
	s0 =	rddreg [dreg:$0x3];
	s9 =	smul.u32 $0x50000, s1  }
0x7: {  	[smem:$0x7FF] =	sst s3;
	s15 =	sshll.u32 s1, $0x6;
	s7 =	smul.u32 $0x140000, s6  }
0x8: {  	s30 =	sshll.u32 s6, $0x4;
	_ =	strace $0x80000047;
	s6 =	ssub.s32 $0x2, s6  }
0x9: {  	s31 =	sshrl.u32 s6, $0x1;
	s7 =	sadd.s32 s8, s7;
	s8 =	sor.u32 s1, s30  }
0xa: {  	s15 =	sor.u32 $0x1C01, s15;
	s11 =	ssub.s32 s6, s31;
	s8 =	smul.u32 $0x500, s8  }
0xb: {  	s9 =	sshrl.u32 s9, $0x2;
	s7 =	sshrl.u32 s7, $0x3;
	s11 =	smax.u32 s11, $0x1  }
0xc: {  	s10 =	sadd.s32 s7, s4;
	s4 =	sadd.s32 s9, s2;
	s5 =	sadd.s32 s5, s8  }
0xd: {  	s6 =	sadd.s32 $0x4000, s4;
	s7 =	sadd.s32 $0x8000, s4;
	s8 =	sadd.s32 $0xC000, s4  }
0xe: {  	v0 =	vimm.f32 $0.0e+00;
	v1 =	vimm.f32 $1.000000000e+00;
	s9 =	sadd.s32 $0x10000, s4;
	s10 =	sadd.s32 $0x1C00, s10;
	s16 =	sshrl.u32 s4, $0x3  }
.LBB2_1:
0xf: {  	[tilespmem:s3], [sflag:$0x1] =	stream.linear.gather [hbm4b:s5+s3], $0x2800, $0x38;
	[tilespmem:$0x9000] =	vst v63  }
0x10: {  	_ =	swait.ge [sflag:s12], $0x2800  }
0x11: {  	[sflag:s12] =	ssyncset.done $0x0  }
0x12: {  	s18 =	simm.s32 $0x200;
	s19 =	simm.s32 $0x0;
	[sflag:s12] =	ssyncadd.s32 $0xFFFFD800  }
.LBB2_2:
0x13: {  	p0 =	sne.s32 s18, $0xFE00;
	[tilespmem:s19+$0x2800] =	vst v0;
	s19 =	smov.u32 s18;
	s18 =	sadd.s32 $0x200, s18  }
.Ltmp0:
0x14: {  	(pc) =	sbr.rel @p0 .LBB2_2-.Ltmp0, $2  }
0x15: {  	_ =	sdelay $0x2  }
0x16: {  	s19 =	sshra.s32 s19, $0x2  }
0x17: {  	[tilespmem:s19+$0x2800] =	vst v0  }
0x18: {  	[spmem:s4] =	stream.linear.scatter [tilespmem:s13], [sflag:$0x1], $0x4000, $0x38;
	[tilespmem:$0x9000] =	vst v63  }
0x19: {  	_ =	swait.ge [sflag:s12], $0x4000  }
0x1a: {  	[sflag:s12] =	ssyncset.done $0x0  }
0x1b: {  	[sflag:s12] =	ssyncadd.s32 $0xFFFFC000  }
0x1c: {  	[spmem:s6] =	stream.linear.scatter [tilespmem:s13], [sflag:$0x1], $0x4000, $0x38;
	[tilespmem:$0x9000] =	vst v63  }
0x1d: {  	_ =	swait.ge [sflag:s12], $0x4000  }
0x1e: {  	[sflag:s12] =	ssyncset.done $0x0  }
0x1f: {  	[sflag:s12] =	ssyncadd.s32 $0xFFFFC000  }
0x20: {  	[spmem:s7] =	stream.linear.scatter [tilespmem:s13], [sflag:$0x1], $0x4000, $0x38;
	[tilespmem:$0x9000] =	vst v63  }
0x21: {  	_ =	swait.ge [sflag:s12], $0x4000  }
0x22: {  	[sflag:s12] =	ssyncset.done $0x0  }
0x23: {  	[sflag:s12] =	ssyncadd.s32 $0xFFFFC000  }
0x24: {  	[spmem:s8] =	stream.linear.scatter [tilespmem:s13], [sflag:$0x1], $0x4000, $0x38;
	[tilespmem:$0x9000] =	vst v63  }
0x25: {  	_ =	swait.ge [sflag:s12], $0x4000  }
0x26: {  	[sflag:s12] =	ssyncset.done $0x0  }
0x27: {  	[sflag:s12] =	ssyncadd.s32 $0xFFFFC000  }
0x28: {  	[spmem:s9] =	stream.linear.scatter [tilespmem:s13], [sflag:$0x1], $0x4000, $0x38;
	[tilespmem:$0x9000] =	vst v63  }
0x29: {  	_ =	swait.ge [sflag:s12], $0x4000  }
0x2a: {  	[sflag:s12] =	ssyncset.done $0x0  }
0x2b: {  	s18 =	simm.s32 $0x200;
	s19 =	simm.s32 $0x0;
	[sflag:s12] =	ssyncadd.s32 $0xFFFFC000  }
.LBB2_4:
0x2c: {  	p0 =	sne.s32 s18, $0xFE00;
	[tilespmem:s19+$0x2800] =	vst v1;
	s19 =	smov.u32 s18;
	s18 =	sadd.s32 $0x200, s18  }
.Ltmp1:
0x2d: {  	(pc) =	sbr.rel @p0 .LBB2_4-.Ltmp1, $2  }
0x2e: {  	_ =	sdelay $0x2  }
0x2f: {  	s19 =	sshra.s32 s19, $0x2  }
0x30: {  	[tilespmem:s19+$0x2800] =	vst v1  }
0x31: {  	s18 =	simm.s32 $0x0;
	[bflag:$0x0] =	sbarrier.arrive $0xFFFF  }
0x32: {  	[spmem:s2] =	stream.indirect.scatter.add.f32 [tilespmem:s13], [sflag:$0x1], $0x10, s18, s14, $0xb8;
	[tilespmem:$0x9000] =	vst v63  }
0x33: {  	_ =	swait.ge [sflag:s12], $0x800  }
0x34: {  	s18 =	simm.s32 $0x200;
	[sflag:s12] =	ssyncset.done $0x0  }
.LBB2_6:
0x35: {  	s19 =	sshra.s32 s18, $0x2;
	[sflag:s12] =	ssyncadd.s32 $0xFFFFF800;
	p0 =	sne.s32 s18, $0x9E00  }
0x36: {  	[spmem:s2] =	stream.indirect.scatter.add.f32 [tilespmem:s13], [sflag:$0x1], $0x10, s19, s14, $0xb8;
	[tilespmem:$0x9000] =	vst v63  }
.Ltmp2:
0x37: {  	_ = 	snop;
	(pc) =	sbr.rel @p0 .LBB2_6-.Ltmp2, $4  }
0x38: {  	_ = 	snop  }
0x39: {  	s18 =	sadd.s32 $0x200, s18  }
0x3a: {  	_ =	swait.ge [sflag:s12], $0x800  }
0x3b: {  	[sflag:s12] =	ssyncset.done $0x0  }
0x3c: {  	s17 =	sadd.s32 $0x1, s17  }
0x3d: {  	[sflag:s12] =	ssyncadd.s32 $0xFFFFF800;
	p0 =	sne.s32 s17, s11  }
.Ltmp3:
0x3e: {  	[bflag:$0x0] =	sbarrier.arrive $0xFFFF;
	(pc) =	sbr.rel @p0 .LBB2_1-.Ltmp3, $4  }
0x3f: {  	[hbm:s10], [sflag:s15] =	dma.local [spmem:s16], $0x2800  }
0x40: {  	_ =	swait.ge [sflag:s12], $0x2800  }
0x41: {  	[sflag:s12] =	ssyncset.done $0x0  }
0x42: {  	[sflag:s12] =	ssyncadd.s32 $0xFFFFD800  }
0x43: {  	_ =	sfence.sel $0x180000  }
0x44: {  	[bflag:$0x0] =	sbarrier.arrive $0xFFFF  }
0x45: {  	p0 =	sne.s32 s1, $0x0;
	_ =	strace $0x90000047  }
0x46: {  	s0 =	sadd.s32 @!p0 $0x100000, s0;
	[bflag:$0x2] =	sbarrier.arrive $0xFFFF  }
0x47: {  	[sflag:s0] =	ssyncadd.tile.s32 @!p0 $0x1;
	_ =	shalt  }
.Lfunc_end2:
_tile_overlayer_lowered:
.L_overlay_start_2:
0x48: {  	(tag) =	ssettag $0x2  }
0x49: {  	s0 =	rddreg [dreg:$0x0];
	s2 =	stileid.u32  }
0x4a: {  	s1 =	rddreg [dreg:$0x1];
	p0 =	sne.s32 s2, $0x0  }
0x4b: {  	s3 =	rddreg [dreg:$0x2];
	[bflag:$0x3] =	sbarrier.arrive $0xFFFF;
	s2 =	simm.s32 @!p0 $0x1C01  }
0x4c: {  	[timem:s3], [sflag:s2] =	dma.local @!p0 [hbm:s0], s1  }
0x4d: {  	s0 =	simm.s32 @!p0 $0x1  }
0x4e: {  	_ =	swait.ge @!p0 [sflag:s0], s1  }
0x4f: {  	s1 =	ssub.s32 @!p0 $0x0, s1;
	[sflag:s0] =	ssyncset.done @!p0 $0x0  }
0x50: {  	[sflag:s0] =	ssyncadd.s32 @!p0 s1  }
0x51: {  	[bflag:$0x3] =	sbarrier.arrive $0xFFFF  }
0x52: {  	_ =	shalt  }

</sc_bundles>
